<compile_context>
chip_gen: v7x
topology: tpu7x:2x2x1
jax: 0.10.2.dev20260603
libtpu: 0.0.44.dev20260713+nightly
codegen_flags: <defaults>
</compile_context>

<pallas_src>
import functools

import jax
import jax.numpy as jnp
from jax import lax
from jax.experimental import pallas as pl
from jax.experimental.pallas import tpu as pltpu
from jax.experimental.pallas import tpu_sc as plsc

VOCAB = 100000
D = 128
B = 1024
L = 200
N_TOK = B * L

NC = 2
NS = 16
NW = NC * NS
TOK_PER_W = N_TOK // NW
CHUNK = 64
NCHUNK = TOK_PER_W // CHUNK
K = 5
GROUP = K * CHUNK
NPAIR = NCHUNK // (2 * K)

ROW_BLK = 10000


def _proj_body(emb_ref, wt_ref, b_ref, out_ref):
    out_ref[...] = (
        jnp.dot(
            emb_ref[...].astype(jnp.bfloat16),
            wt_ref[...],
            preferred_element_type=jnp.float32,
        )
        + b_ref[...]
    )


def _project_table(embed_table, proj_Wt, proj_b2):
    return pl.pallas_call(
        _proj_body,
        grid=(VOCAB // ROW_BLK,),
        in_specs=[
            pl.BlockSpec((ROW_BLK, D), lambda i: (i, 0)),
            pl.BlockSpec((D, D), lambda i: (0, 0)),
            pl.BlockSpec((1, D), lambda i: (0, 0)),
        ],
        out_specs=pl.BlockSpec((ROW_BLK, D), lambda i: (i, 0)),
        out_shape=jax.ShapeDtypeStruct((VOCAB, D), jnp.float32),
    )(embed_table, proj_Wt, proj_b2)


@functools.partial(
    pl.kernel,
    mesh=plsc.VectorSubcoreMesh(core_axis_name="c", subcore_axis_name="s"),
    out_type=jax.ShapeDtypeStruct((N_TOK, D), jnp.float32),
    scratch_types=[
        pltpu.VMEM((NCHUNK, CHUNK), jnp.int32),
        pltpu.VMEM((2, GROUP, D), jnp.float32),
        pltpu.SemaphoreType.DMA,
        pltpu.SemaphoreType.DMA,
        pltpu.SemaphoreType.DMA,
        pltpu.SemaphoreType.DMA,
    ],
)
def _sc_gather(ids_hbm, table_hbm, out_hbm, idx_v, bufs, gsA, gsB, wsA, wsB):
    wid = lax.axis_index("s") * NC + lax.axis_index("c")
    base = wid * TOK_PER_W
    pltpu.sync_copy(ids_hbm.at[wid], idx_v)

    def fire_gathers(c0, grp, sem):
        for k in range(K):
            pltpu.async_copy(
                table_hbm.at[idx_v.at[c0 + k]],
                bufs.at[grp].at[pl.ds(k * CHUNK, CHUNK)],
                sem,
            )

    def drain_gathers(c0, grp, sem):
        for k in range(K):
            pltpu.make_async_copy(
                table_hbm.at[idx_v.at[c0 + k]],
                bufs.at[grp].at[pl.ds(k * CHUNK, CHUNK)],
                sem,
            ).wait()

    def fire_wb(c0, grp, sem):
        pltpu.async_copy(
            bufs.at[grp], out_hbm.at[pl.ds(base + c0 * CHUNK, GROUP)], sem
        )

    def drain_wb(c0, grp, sem):
        pltpu.make_async_copy(
            bufs.at[grp], out_hbm.at[pl.ds(base + c0 * CHUNK, GROUP)], sem
        ).wait()

    fire_gathers(0, 0, gsA)

    def pair(sp, carry):
        c0 = sp * 2 * K
        @pl.when(sp > 0)
        def _():
            drain_wb(c0 - K, 1, wsB)

        fire_gathers(c0 + K, 1, gsB)
        drain_gathers(c0, 0, gsA)
        fire_wb(c0, 0, wsA)

        @pl.when(sp < NPAIR - 1)
        def _():
            drain_wb(c0, 0, wsA)
            fire_gathers(c0 + 2 * K, 0, gsA)

        drain_gathers(c0 + K, 1, gsB)
        fire_wb(c0 + K, 1, wsB)
        return carry

    lax.fori_loop(0, NPAIR, pair, 0)

    c_last = (NPAIR - 1) * 2 * K
    drain_wb(c_last, 0, wsA)
    drain_wb(c_last + K, 1, wsB)


def kernel(input_ids, embed_table, proj_W, proj_b):
    proj_table = _project_table(
        embed_table, proj_W.T.astype(jnp.bfloat16), proj_b.reshape(1, D)
    )
    ids3 = input_ids.astype(jnp.int32).reshape(NW, NCHUNK, CHUNK)
    flat = _sc_gather(ids3, proj_table)
    return flat.reshape(B, L, D)

# --- scband reference (transcript-rebuilt; emitter-appended) ---
"""Pipeline reference for scband-stub-text-encoder-41867341201921 (READ-ONLY COPY).

The authoritative reference and input builder live on the scoring server;
editing this copy changes nothing except your own understanding.
"""

import jax, jax.numpy as jnp
import numpy as np

VOCAB = 100000
D_MODEL = 128
B = 1024
L = 200

def setup_inputs(seed: int = 0) -> dict:
    key = jax.random.key(seed)
    k1, k2, k3, k4 = jax.random.split(key, 4)
    input_ids = jax.random.randint(k1, (B, L), 0, VOCAB, dtype=jnp.int64 if jax.config.jax_enable_x64 else jnp.int32)
    embed_table = jax.random.normal(k2, (VOCAB, D_MODEL), dtype=jnp.float32)
    proj_W = jax.random.normal(k3, (D_MODEL, D_MODEL), dtype=jnp.float32) * (1.0 / np.sqrt(D_MODEL))
    proj_b = jax.random.normal(k4, (D_MODEL,), dtype=jnp.float32) * 0.01
    return {"input_ids": input_ids, "embed_table": embed_table, "proj_W": proj_W, "proj_b": proj_b}

def reference(input_ids, embed_table, proj_W, proj_b):
    # embedding lookup: [B, L] -> [B, L, d_model]
    emb = jnp.take(embed_table, input_ids, axis=0)
    # linear projection (torch Linear: x @ W.T + b)
    out = jnp.einsum('bld,ed->ble', emb, proj_W) + proj_b
    return out

if __name__ == "__main__":
    import jax
    _d = setup_inputs()
    print(jax.jit(kernel)(*tuple(_d.values())))

</pallas_src>

<mosaic_0001>
#map = affine_map<(d0, d1) -> (0, 0, 0)>
#map1 = affine_map<(d0, d1) -> (0, 0)>
module attributes {stable_mosaic.version = 14 : i64} {
  func.func @_sc_gather(%arg0: i32, %arg1: i32, %arg2: memref<32x100x64xi32, #tpu.memory_space<hbm>>, %arg3: memref<100000x128xf32, #tpu.memory_space<hbm>>, %arg4: memref<204800x128xf32, #tpu.memory_space<hbm>>, %arg5: memref<100x64xi32, #tpu.memory_space<vmem>>, %arg6: memref<2x320x128xf32, #tpu.memory_space<vmem>>, %arg7: memref<!tpu.dma_semaphore, #tpu.memory_space<semaphore_mem>>, %arg8: memref<!tpu.dma_semaphore, #tpu.memory_space<semaphore_mem>>, %arg9: memref<!tpu.dma_semaphore, #tpu.memory_space<semaphore_mem>>, %arg10: memref<!tpu.dma_semaphore, #tpu.memory_space<semaphore_mem>>) attributes {dimension_semantics = [#tpu.dimension_semantics<core_parallel>, #tpu.dimension_semantics<subcore_parallel>], iteration_bounds = array<i64: 2, 16>, scalar_prefetch = 0 : i64, scratch_operands = 6 : i64, tpu.core_type = #tpu.core_type<sc_vector_subcore>, window_params = [{transform_indices = #map}, {transform_indices = #map1}, {transform_indices = #map1}]} {
    %mul3A = arith.constant 2 : i32
    %mul3A_0 = arith.muli %arg1, %mul3A : i32
    %add3A = arith.addi %mul3A_0, %arg0 : i32
    %mul3A_1 = arith.constant 6400 : i32
    %mul3A_2 = arith.muli %add3A, %mul3A_1 : i32
    "tpu.region"() ({
      %run_scoped3A = tpu.sem_alloc : memref<!tpu.dma_semaphore, #tpu.memory_space<semaphore_mem>>
      %dma_start3A_111 = arith.constant 0 : i32
      %dma_start3A_112 = arith.constant 0 : i32
      %dma_start3A_113 = tpu.memref_slice %arg2[%add3A, %dma_start3A_111, %dma_start3A_112] : memref<32x100x64xi32, #tpu.memory_space<hbm>> -> memref<1x100x64xi32, #tpu.memory_space<hbm>>
      %dma_start3A_114 = tpu.memref_squeeze %dma_start3A_113 : memref<1x100x64xi32, #tpu.memory_space<hbm>> -> memref<100x64xi32, #tpu.memory_space<hbm>>
      %dma_start3A_115 = arith.constant 0 : i32
      %dma_start3A_116 = arith.constant 0 : i32
      %dma_start3A_117 = tpu.memref_slice %arg2[%add3A, %dma_start3A_115, %dma_start3A_116] : memref<32x100x64xi32, #tpu.memory_space<hbm>> -> memref<1x100x64xi32, #tpu.memory_space<hbm>>
      %dma_start3A_118 = tpu.memref_squeeze %dma_start3A_117 : memref<1x100x64xi32, #tpu.memory_space<hbm>> -> memref<100x64xi32, #tpu.memory_space<hbm>>
      tpu.enqueue_dma source(%dma_start3A_118 : memref<100x64xi32, #tpu.memory_space<hbm>>) target(%arg5 : memref<100x64xi32, #tpu.memory_space<vmem>>) target_semaphore(%run_scoped3A : memref<!tpu.dma_semaphore, #tpu.memory_space<semaphore_mem>>)
      %dma_wait3A_119 = arith.constant 0 : i32
      %dma_wait3A_120 = arith.constant 0 : i32
      %dma_wait3A_121 = tpu.memref_slice %arg2[%add3A, %dma_wait3A_119, %dma_wait3A_120] : memref<32x100x64xi32, #tpu.memory_space<hbm>> -> memref<1x100x64xi32, #tpu.memory_space<hbm>>
      %dma_wait3A_122 = tpu.memref_squeeze %dma_wait3A_121 : memref<1x100x64xi32, #tpu.memory_space<hbm>> -> memref<100x64xi32, #tpu.memory_space<hbm>>
      %dma_wait3A_123 = arith.constant 0 : i32
      %dma_wait3A_124 = arith.constant 0 : i32
      %dma_wait3A_125 = tpu.memref_slice %arg2[%add3A, %dma_wait3A_123, %dma_wait3A_124] : memref<32x100x64xi32, #tpu.memory_space<hbm>> -> memref<1x100x64xi32, #tpu.memory_space<hbm>>
      %dma_wait3A_126 = tpu.memref_squeeze %dma_wait3A_125 : memref<1x100x64xi32, #tpu.memory_space<hbm>> -> memref<100x64xi32, #tpu.memory_space<hbm>>
      tpu.wait_dma2 semaphore(%run_scoped3A : memref<!tpu.dma_semaphore, #tpu.memory_space<semaphore_mem>>) src(%dma_wait3A_126 : memref<100x64xi32, #tpu.memory_space<hbm>>) dst(%arg5 : memref<100x64xi32, #tpu.memory_space<vmem>>)
      tpu.yield
    }) : () -> ()
    %dma_start3A = arith.constant 0 : i32
    %dma_start3A_3 = arith.constant 0 : i32
    %dma_start3A_4 = arith.constant 0 : i32
    %dma_start3A_5 = arith.constant 0 : i32
    %dma_start3A_6 = tpu.memref_slice %arg6[%dma_start3A_3, %dma_start3A_4, %dma_start3A_5] : memref<2x320x128xf32, #tpu.memory_space<vmem>> -> memref<1x320x128xf32, #tpu.memory_space<vmem>>
    %dma_start3A_7 = tpu.memref_squeeze %dma_start3A_6 : memref<1x320x128xf32, #tpu.memory_space<vmem>> -> memref<320x128xf32, #tpu.memory_space<vmem>>
    %dma_start3A_8 = arith.constant 0 : i32
    %dma_start3A_9 = arith.constant 0 : i32
    %dma_start3A_10 = tpu.memref_slice %dma_start3A_7[%dma_start3A_8, %dma_start3A_9] : memref<320x128xf32, #tpu.memory_space<vmem>> -> memref<64x128xf32, #tpu.memory_space<vmem>>
    %dma_start3A_11 = arith.constant 0 : i32
    %dma_start3A_12 = tpu.memref_slice %arg5[%dma_start3A, %dma_start3A_11] : memref<100x64xi32, #tpu.memory_space<vmem>> -> memref<1x64xi32, #tpu.memory_space<vmem>>
    %dma_start3A_13 = tpu.memref_squeeze %dma_start3A_12 : memref<1x64xi32, #tpu.memory_space<vmem>> -> memref<64xi32, #tpu.memory_space<vmem>>
    %dma_start3A_14 = arith.constant 0 : i32
    %dma_start3A_15 = arith.constant 0 : i32
    %dma_start3A_16 = tpu.memref_slice %arg3[%dma_start3A_14, %dma_start3A_15] : memref<100000x128xf32, #tpu.memory_space<hbm>> -> memref<100000x128xf32, #tpu.memory_space<hbm>>
    tpu.enqueue_indirect_dma source(%dma_start3A_16 : memref<100000x128xf32, #tpu.memory_space<hbm>>) target(%dma_start3A_10 : memref<64x128xf32, #tpu.memory_space<vmem>>) offsets(%dma_start3A_13 : memref<64xi32, #tpu.memory_space<vmem>>) semaphore(%arg7 : memref<!tpu.dma_semaphore, #tpu.memory_space<semaphore_mem>>)
    %dma_start3A_17 = arith.constant 1 : i32
    %dma_start3A_18 = arith.constant 0 : i32
    %dma_start3A_19 = arith.constant 0 : i32
    %dma_start3A_20 = arith.constant 0 : i32
    %dma_start3A_21 = tpu.memref_slice %arg6[%dma_start3A_18, %dma_start3A_19, %dma_start3A_20] : memref<2x320x128xf32, #tpu.memory_space<vmem>> -> memref<1x320x128xf32, #tpu.memory_space<vmem>>
    %dma_start3A_22 = tpu.memref_squeeze %dma_start3A_21 : memref<1x320x128xf32, #tpu.memory_space<vmem>> -> memref<320x128xf32, #tpu.memory_space<vmem>>
    %dma_start3A_23 = arith.constant 64 : i32
    %dma_start3A_24 = arith.constant 0 : i32
    %dma_start3A_25 = tpu.memref_slice %dma_start3A_22[%dma_start3A_23, %dma_start3A_24] : memref<320x128xf32, #tpu.memory_space<vmem>> -> memref<64x128xf32, #tpu.memory_space<vmem>>
    %dma_start3A_26 = arith.constant 0 : i32
    %dma_start3A_27 = tpu.memref_slice %arg5[%dma_start3A_17, %dma_start3A_26] : memref<100x64xi32, #tpu.memory_space<vmem>> -> memref<1x64xi32, #tpu.memory_space<vmem>>
    %dma_start3A_28 = tpu.memref_squeeze %dma_start3A_27 : memref<1x64xi32, #tpu.memory_space<vmem>> -> memref<64xi32, #tpu.memory_space<vmem>>
    %dma_start3A_29 = arith.constant 0 : i32
    %dma_start3A_30 = arith.constant 0 : i32
    %dma_start3A_31 = tpu.memref_slice %arg3[%dma_start3A_29, %dma_start3A_30] : memref<100000x128xf32, #tpu.memory_space<hbm>> -> memref<100000x128xf32, #tpu.memory_space<hbm>>
    tpu.enqueue_indirect_dma source(%dma_start3A_31 : memref<100000x128xf32, #tpu.memory_space<hbm>>) target(%dma_start3A_25 : memref<64x128xf32, #tpu.memory_space<vmem>>) offsets(%dma_start3A_28 : memref<64xi32, #tpu.memory_space<vmem>>) semaphore(%arg7 : memref<!tpu.dma_semaphore, #tpu.memory_space<semaphore_mem>>)
    %dma_start3A_32 = arith.constant 2 : i32
    %dma_start3A_33 = arith.constant 0 : i32
    %dma_start3A_34 = arith.constant 0 : i32
    %dma_start3A_35 = arith.constant 0 : i32
    %dma_start3A_36 = tpu.memref_slice %arg6[%dma_start3A_33, %dma_start3A_34, %dma_start3A_35] : memref<2x320x128xf32, #tpu.memory_space<vmem>> -> memref<1x320x128xf32, #tpu.memory_space<vmem>>
    %dma_start3A_37 = tpu.memref_squeeze %dma_start3A_36 : memref<1x320x128xf32, #tpu.memory_space<vmem>> -> memref<320x128xf32, #tpu.memory_space<vmem>>
    %dma_start3A_38 = arith.constant 128 : i32
    %dma_start3A_39 = arith.constant 0 : i32
    %dma_start3A_40 = tpu.memref_slice %dma_start3A_37[%dma_start3A_38, %dma_start3A_39] : memref<320x128xf32, #tpu.memory_space<vmem>> -> memref<64x128xf32, #tpu.memory_space<vmem>>
    %dma_start3A_41 = arith.constant 0 : i32
    %dma_start3A_42 = tpu.memref_slice %arg5[%dma_start3A_32, %dma_start3A_41] : memref<100x64xi32, #tpu.memory_space<vmem>> -> memref<1x64xi32, #tpu.memory_space<vmem>>
    %dma_start3A_43 = tpu.memref_squeeze %dma_start3A_42 : memref<1x64xi32, #tpu.memory_space<vmem>> -> memref<64xi32, #tpu.memory_space<vmem>>
    %dma_start3A_44 = arith.constant 0 : i32
    %dma_start3A_45 = arith.constant 0 : i32
    %dma_start3A_46 = tpu.memref_slice %arg3[%dma_start3A_44, %dma_start3A_45] : memref<100000x128xf32, #tpu.memory_space<hbm>> -> memref<100000x128xf32, #tpu.memory_space<hbm>>
    tpu.enqueue_indirect_dma source(%dma_start3A_46 : memref<100000x128xf32, #tpu.memory_space<hbm>>) target(%dma_start3A_40 : memref<64x128xf32, #tpu.memory_space<vmem>>) offsets(%dma_start3A_43 : memref<64xi32, #tpu.memory_space<vmem>>) semaphore(%arg7 : memref<!tpu.dma_semaphore, #tpu.memory_space<semaphore_mem>>)
    %dma_start3A_47 = arith.constant 3 : i32
    %dma_start3A_48 = arith.constant 0 : i32
    %dma_start3A_49 = arith.constant 0 : i32
    %dma_start3A_50 = arith.constant 0 : i32
    %dma_start3A_51 = tpu.memref_slice %arg6[%dma_start3A_48, %dma_start3A_49, %dma_start3A_50] : memref<2x320x128xf32, #tpu.memory_space<vmem>> -> memref<1x320x128xf32, #tpu.memory_space<vmem>>
    %dma_start3A_52 = tpu.memref_squeeze %dma_start3A_51 : memref<1x320x128xf32, #tpu.memory_space<vmem>> -> memref<320x128xf32, #tpu.memory_space<vmem>>
    %dma_start3A_53 = arith.constant 192 : i32
    %dma_start3A_54 = arith.constant 0 : i32
    %dma_start3A_55 = tpu.memref_slice %dma_start3A_52[%dma_start3A_53, %dma_start3A_54] : memref<320x128xf32, #tpu.memory_space<vmem>> -> memref<64x128xf32, #tpu.memory_space<vmem>>
    %dma_start3A_56 = arith.constant 0 : i32
    %dma_start3A_57 = tpu.memref_slice %arg5[%dma_start3A_47, %dma_start3A_56] : memref<100x64xi32, #tpu.memory_space<vmem>> -> memref<1x64xi32, #tpu.memory_space<vmem>>
    %dma_start3A_58 = tpu.memref_squeeze %dma_start3A_57 : memref<1x64xi32, #tpu.memory_space<vmem>> -> memref<64xi32, #tpu.memory_space<vmem>>
    %dma_start3A_59 = arith.constant 0 : i32
    %dma_start3A_60 = arith.constant 0 : i32
    %dma_start3A_61 = tpu.memref_slice %arg3[%dma_start3A_59, %dma_start3A_60] : memref<100000x128xf32, #tpu.memory_space<hbm>> -> memref<100000x128xf32, #tpu.memory_space<hbm>>
    tpu.enqueue_indirect_dma source(%dma_start3A_61 : memref<100000x128xf32, #tpu.memory_space<hbm>>) target(%dma_start3A_55 : memref<64x128xf32, #tpu.memory_space<vmem>>) offsets(%dma_start3A_58 : memref<64xi32, #tpu.memory_space<vmem>>) semaphore(%arg7 : memref<!tpu.dma_semaphore, #tpu.memory_space<semaphore_mem>>)
    %dma_start3A_62 = arith.constant 4 : i32
    %dma_start3A_63 = arith.constant 0 : i32
    %dma_start3A_64 = arith.constant 0 : i32
    %dma_start3A_65 = arith.constant 0 : i32
    %dma_start3A_66 = tpu.memref_slice %arg6[%dma_start3A_63, %dma_start3A_64, %dma_start3A_65] : memref<2x320x128xf32, #tpu.memory_space<vmem>> -> memref<1x320x128xf32, #tpu.memory_space<vmem>>
    %dma_start3A_67 = tpu.memref_squeeze %dma_start3A_66 : memref<1x320x128xf32, #tpu.memory_space<vmem>> -> memref<320x128xf32, #tpu.memory_space<vmem>>
    %dma_start3A_68 = arith.constant 256 : i32
    %dma_start3A_69 = arith.constant 0 : i32
    %dma_start3A_70 = tpu.memref_slice %dma_start3A_67[%dma_start3A_68, %dma_start3A_69] : memref<320x128xf32, #tpu.memory_space<vmem>> -> memref<64x128xf32, #tpu.memory_space<vmem>>
    %dma_start3A_71 = arith.constant 0 : i32
    %dma_start3A_72 = tpu.memref_slice %arg5[%dma_start3A_62, %dma_start3A_71] : memref<100x64xi32, #tpu.memory_space<vmem>> -> memref<1x64xi32, #tpu.memory_space<vmem>>
    %dma_start3A_73 = tpu.memref_squeeze %dma_start3A_72 : memref<1x64xi32, #tpu.memory_space<vmem>> -> memref<64xi32, #tpu.memory_space<vmem>>
    %dma_start3A_74 = arith.constant 0 : i32
    %dma_start3A_75 = arith.constant 0 : i32
    %dma_start3A_76 = tpu.memref_slice %arg3[%dma_start3A_74, %dma_start3A_75] : memref<100000x128xf32, #tpu.memory_space<hbm>> -> memref<100000x128xf32, #tpu.memory_space<hbm>>
    tpu.enqueue_indirect_dma source(%dma_start3A_76 : memref<100000x128xf32, #tpu.memory_space<hbm>>) target(%dma_start3A_70 : memref<64x128xf32, #tpu.memory_space<vmem>>) offsets(%dma_start3A_73 : memref<64xi32, #tpu.memory_space<vmem>>) semaphore(%arg7 : memref<!tpu.dma_semaphore, #tpu.memory_space<semaphore_mem>>)
    %scan3A = arith.constant 0 : i32
    %scan3A_77 = arith.constant 0 : i32
    %scan3A_78 = arith.constant 10 : i32
    %scan3A_79 = arith.addi %scan3A_77, %scan3A_78 : i32
    %scan3A_80 = arith.constant 1 : i32
    scf.for %scan3A_111 = %scan3A_77 to %scan3A_79 step %scan3A_80  : i32 {
      %mul3A_112 = arith.constant 2 : i32
      %mul3A_113 = arith.muli %scan3A_111, %mul3A_112 : i32
      %mul3A_114 = arith.constant 5 : i32
      %mul3A_115 = arith.muli %mul3A_113, %mul3A_114 : i32
      %gt3A = arith.constant 0 : i32
      %gt3A_116 = arith.cmpi sgt, %scan3A_111, %gt3A : i32
      %convert_element_type3A = arith.extui %gt3A_116 : i1 to i32
      %cond3A = arith.constant 0 : i32
      %cond3A_117 = arith.cmpi ne, %convert_element_type3A, %cond3A : i32
      scf.if %cond3A_117 {
        %sub3A = arith.constant 5 : i32
        %sub3A_400 = arith.subi %mul3A_115, %sub3A : i32
        %mul3A_401 = arith.constant 64 : i32
        %mul3A_402 = arith.muli %sub3A_400, %mul3A_401 : i32
        %add3A_403 = arith.addi %mul3A_2, %mul3A_402 : i32
        %dma_wait3A_404 = arith.constant 1 : i32
        %dma_wait3A_405 = arith.constant 0 : i32
        %dma_wait3A_406 = arith.constant 0 : i32
        %dma_wait3A_407 = tpu.memref_slice %arg6[%dma_wait3A_404, %dma_wait3A_405, %dma_wait3A_406] : memref<2x320x128xf32, #tpu.memory_space<vmem>> -> memref<1x320x128xf32, #tpu.memory_space<vmem>>
        %dma_wait3A_408 = tpu.memref_squeeze %dma_wait3A_407 : memref<1x320x128xf32, #tpu.memory_space<vmem>> -> memref<320x128xf32, #tpu.memory_space<vmem>>
        %dma_wait3A_409 = arith.constant 0 : i32
        %dma_wait3A_410 = tpu.memref_slice %arg4[%add3A_403, %dma_wait3A_409] : memref<204800x128xf32, #tpu.memory_space<hbm>> -> memref<320x128xf32, #tpu.memory_space<hbm>>
        %dma_wait3A_411 = arith.constant 0 : i32
        %dma_wait3A_412 = tpu.memref_slice %arg4[%add3A_403, %dma_wait3A_411] : memref<204800x128xf32, #tpu.memory_space<hbm>> -> memref<320x128xf32, #tpu.memory_space<hbm>>
        %dma_wait3A_413 = arith.constant 0 : i32
        %dma_wait3A_414 = arith.constant 0 : i32
        %dma_wait3A_415 = tpu.memref_slice %arg6[%dma_wait3A_404, %dma_wait3A_413, %dma_wait3A_414] : memref<2x320x128xf32, #tpu.memory_space<vmem>> -> memref<1x320x128xf32, #tpu.memory_space<vmem>>
        %dma_wait3A_416 = tpu.memref_squeeze %dma_wait3A_415 : memref<1x320x128xf32, #tpu.memory_space<vmem>> -> memref<320x128xf32, #tpu.memory_space<vmem>>
        tpu.wait_dma2 semaphore(%arg10 : memref<!tpu.dma_semaphore, #tpu.memory_space<semaphore_mem>>) src(%dma_wait3A_416 : memref<320x128xf32, #tpu.memory_space<vmem>>) dst(%dma_wait3A_412 : memref<320x128xf32, #tpu.memory_space<hbm>>)
      } else {
      }
      %add3A_118 = arith.constant 5 : i32
      %add3A_119 = arith.addi %mul3A_115, %add3A_118 : i32
      %add3A_120 = arith.constant 0 : i32
      %add3A_121 = arith.addi %add3A_119, %add3A_120 : i32
      %dma_start3A_122 = arith.constant 1 : i32
      %dma_start3A_123 = arith.constant 0 : i32
      %dma_start3A_124 = arith.constant 0 : i32
      %dma_start3A_125 = tpu.memref_slice %arg6[%dma_start3A_122, %dma_start3A_123, %dma_start3A_124] : memref<2x320x128xf32, #tpu.memory_space<vmem>> -> memref<1x320x128xf32, #tpu.memory_space<vmem>>
      %dma_start3A_126 = tpu.memref_squeeze %dma_start3A_125 : memref<1x320x128xf32, #tpu.memory_space<vmem>> -> memref<320x128xf32, #tpu.memory_space<vmem>>
      %dma_start3A_127 = arith.constant 0 : i32
      %dma_start3A_128 = arith.constant 0 : i32
      %dma_start3A_129 = tpu.memref_slice %dma_start3A_126[%dma_start3A_127, %dma_start3A_128] : memref<320x128xf32, #tpu.memory_space<vmem>> -> memref<64x128xf32, #tpu.memory_space<vmem>>
      %dma_start3A_130 = arith.constant 0 : i32
      %dma_start3A_131 = tpu.memref_slice %arg5[%add3A_121, %dma_start3A_130] : memref<100x64xi32, #tpu.memory_space<vmem>> -> memref<1x64xi32, #tpu.memory_space<vmem>>
      %dma_start3A_132 = tpu.memref_squeeze %dma_start3A_131 : memref<1x64xi32, #tpu.memory_space<vmem>> -> memref<64xi32, #tpu.memory_space<vmem>>
      %dma_start3A_133 = arith.constant 0 : i32
      %dma_start3A_134 = arith.constant 0 : i32
      %dma_start3A_135 = tpu.memref_slice %arg3[%dma_start3A_133, %dma_start3A_134] : memref<100000x128xf32, #tpu.memory_space<hbm>> -> memref<100000x128xf32, #tpu.memory_space<hbm>>
      tpu.enqueue_indirect_dma source(%dma_start3A_135 : memref<100000x128xf32, #tpu.memory_space<hbm>>) target(%dma_start3A_129 : memref<64x128xf32, #tpu.memory_space<vmem>>) offsets(%dma_start3A_132 : memref<64xi32, #tpu.memory_space<vmem>>) semaphore(%arg8 : memref<!tpu.dma_semaphore, #tpu.memory_space<semaphore_mem>>)
      %add3A_136 = arith.constant 1 : i32
      %add3A_137 = arith.addi %add3A_119, %add3A_136 : i32
      %dma_start3A_138 = arith.constant 1 : i32
      %dma_start3A_139 = arith.constant 0 : i32
      %dma_start3A_140 = arith.constant 0 : i32
      %dma_start3A_141 = tpu.memref_slice %arg6[%dma_start3A_138, %dma_start3A_139, %dma_start3A_140] : memref<2x320x128xf32, #tpu.memory_space<vmem>> -> memref<1x320x128xf32, #tpu.memory_space<vmem>>
      %dma_start3A_142 = tpu.memref_squeeze %dma_start3A_141 : memref<1x320x128xf32, #tpu.memory_space<vmem>> -> memref<320x128xf32, #tpu.memory_space<vmem>>
      %dma_start3A_143 = arith.constant 64 : i32
      %dma_start3A_144 = arith.constant 0 : i32
      %dma_start3A_145 = tpu.memref_slice %dma_start3A_142[%dma_start3A_143, %dma_start3A_144] : memref<320x128xf32, #tpu.memory_space<vmem>> -> memref<64x128xf32, #tpu.memory_space<vmem>>
      %dma_start3A_146 = arith.constant 0 : i32
      %dma_start3A_147 = tpu.memref_slice %arg5[%add3A_137, %dma_start3A_146] : memref<100x64xi32, #tpu.memory_space<vmem>> -> memref<1x64xi32, #tpu.memory_space<vmem>>
      %dma_start3A_148 = tpu.memref_squeeze %dma_start3A_147 : memref<1x64xi32, #tpu.memory_space<vmem>> -> memref<64xi32, #tpu.memory_space<vmem>>
      %dma_start3A_149 = arith.constant 0 : i32
      %dma_start3A_150 = arith.constant 0 : i32
      %dma_start3A_151 = tpu.memref_slice %arg3[%dma_start3A_149, %dma_start3A_150] : memref<100000x128xf32, #tpu.memory_space<hbm>> -> memref<100000x128xf32, #tpu.memory_space<hbm>>
      tpu.enqueue_indirect_dma source(%dma_start3A_151 : memref<100000x128xf32, #tpu.memory_space<hbm>>) target(%dma_start3A_145 : memref<64x128xf32, #tpu.memory_space<vmem>>) offsets(%dma_start3A_148 : memref<64xi32, #tpu.memory_space<vmem>>) semaphore(%arg8 : memref<!tpu.dma_semaphore, #tpu.memory_space<semaphore_mem>>)
      %add3A_152 = arith.constant 2 : i32
      %add3A_153 = arith.addi %add3A_119, %add3A_152 : i32
      %dma_start3A_154 = arith.constant 1 : i32
      %dma_start3A_155 = arith.constant 0 : i32
      %dma_start3A_156 = arith.constant 0 : i32
      %dma_start3A_157 = tpu.memref_slice %arg6[%dma_start3A_154, %dma_start3A_155, %dma_start3A_156] : memref<2x320x128xf32, #tpu.memory_space<vmem>> -> memref<1x320x128xf32, #tpu.memory_space<vmem>>
      %dma_start3A_158 = tpu.memref_squeeze %dma_start3A_157 : memref<1x320x128xf32, #tpu.memory_space<vmem>> -> memref<320x128xf32, #tpu.memory_space<vmem>>
      %dma_start3A_159 = arith.constant 128 : i32
      %dma_start3A_160 = arith.constant 0 : i32
      %dma_start3A_161 = tpu.memref_slice %dma_start3A_158[%dma_start3A_159, %dma_start3A_160] : memref<320x128xf32, #tpu.memory_space<vmem>> -> memref<64x128xf32, #tpu.memory_space<vmem>>
      %dma_start3A_162 = arith.constant 0 : i32
      %dma_start3A_163 = tpu.memref_slice %arg5[%add3A_153, %dma_start3A_162] : memref<100x64xi32, #tpu.memory_space<vmem>> -> memref<1x64xi32, #tpu.memory_space<vmem>>
      %dma_start3A_164 = tpu.memref_squeeze %dma_start3A_163 : memref<1x64xi32, #tpu.memory_space<vmem>> -> memref<64xi32, #tpu.memory_space<vmem>>
      %dma_start3A_165 = arith.constant 0 : i32
      %dma_start3A_166 = arith.constant 0 : i32
      %dma_start3A_167 = tpu.memref_slice %arg3[%dma_start3A_165, %dma_start3A_166] : memref<100000x128xf32, #tpu.memory_space<hbm>> -> memref<100000x128xf32, #tpu.memory_space<hbm>>
      tpu.enqueue_indirect_dma source(%dma_start3A_167 : memref<100000x128xf32, #tpu.memory_space<hbm>>) target(%dma_start3A_161 : memref<64x128xf32, #tpu.memory_space<vmem>>) offsets(%dma_start3A_164 : memref<64xi32, #tpu.memory_space<vmem>>) semaphore(%arg8 : memref<!tpu.dma_semaphore, #tpu.memory_space<semaphore_mem>>)
      %add3A_168 = arith.constant 3 : i32
      %add3A_169 = arith.addi %add3A_119, %add3A_168 : i32
      %dma_start3A_170 = arith.constant 1 : i32
      %dma_start3A_171 = arith.constant 0 : i32
      %dma_start3A_172 = arith.constant 0 : i32
      %dma_start3A_173 = tpu.memref_slice %arg6[%dma_start3A_170, %dma_start3A_171, %dma_start3A_172] : memref<2x320x128xf32, #tpu.memory_space<vmem>> -> memref<1x320x128xf32, #tpu.memory_space<vmem>>
      %dma_start3A_174 = tpu.memref_squeeze %dma_start3A_173 : memref<1x320x128xf32, #tpu.memory_space<vmem>> -> memref<320x128xf32, #tpu.memory_space<vmem>>
      %dma_start3A_175 = arith.constant 192 : i32
      %dma_start3A_176 = arith.constant 0 : i32
      %dma_start3A_177 = tpu.memref_slice %dma_start3A_174[%dma_start3A_175, %dma_start3A_176] : memref<320x128xf32, #tpu.memory_space<vmem>> -> memref<64x128xf32, #tpu.memory_space<vmem>>
      %dma_start3A_178 = arith.constant 0 : i32
      %dma_start3A_179 = tpu.memref_slice %arg5[%add3A_169, %dma_start3A_178] : memref<100x64xi32, #tpu.memory_space<vmem>> -> memref<1x64xi32, #tpu.memory_space<vmem>>
      %dma_start3A_180 = tpu.memref_squeeze %dma_start3A_179 : memref<1x64xi32, #tpu.memory_space<vmem>> -> memref<64xi32, #tpu.memory_space<vmem>>
      %dma_start3A_181 = arith.constant 0 : i32
      %dma_start3A_182 = arith.constant 0 : i32
      %dma_start3A_183 = tpu.memref_slice %arg3[%dma_start3A_181, %dma_start3A_182] : memref<100000x128xf32, #tpu.memory_space<hbm>> -> memref<100000x128xf32, #tpu.memory_space<hbm>>
      tpu.enqueue_indirect_dma source(%dma_start3A_183 : memref<100000x128xf32, #tpu.memory_space<hbm>>) target(%dma_start3A_177 : memref<64x128xf32, #tpu.memory_space<vmem>>) offsets(%dma_start3A_180 : memref<64xi32, #tpu.memory_space<vmem>>) semaphore(%arg8 : memref<!tpu.dma_semaphore, #tpu.memory_space<semaphore_mem>>)
      %add3A_184 = arith.constant 4 : i32
      %add3A_185 = arith.addi %add3A_119, %add3A_184 : i32
      %dma_start3A_186 = arith.constant 1 : i32
      %dma_start3A_187 = arith.constant 0 : i32
      %dma_start3A_188 = arith.constant 0 : i32
      %dma_start3A_189 = tpu.memref_slice %arg6[%dma_start3A_186, %dma_start3A_187, %dma_start3A_188] : memref<2x320x128xf32, #tpu.memory_space<vmem>> -> memref<1x320x128xf32, #tpu.memory_space<vmem>>
      %dma_start3A_190 = tpu.memref_squeeze %dma_start3A_189 : memref<1x320x128xf32, #tpu.memory_space<vmem>> -> memref<320x128xf32, #tpu.memory_space<vmem>>
      %dma_start3A_191 = arith.constant 256 : i32
      %dma_start3A_192 = arith.constant 0 : i32
      %dma_start3A_193 = tpu.memref_slice %dma_start3A_190[%dma_start3A_191, %dma_start3A_192] : memref<320x128xf32, #tpu.memory_space<vmem>> -> memref<64x128xf32, #tpu.memory_space<vmem>>
      %dma_start3A_194 = arith.constant 0 : i32
      %dma_start3A_195 = tpu.memref_slice %arg5[%add3A_185, %dma_start3A_194] : memref<100x64xi32, #tpu.memory_space<vmem>> -> memref<1x64xi32, #tpu.memory_space<vmem>>
      %dma_start3A_196 = tpu.memref_squeeze %dma_start3A_195 : memref<1x64xi32, #tpu.memory_space<vmem>> -> memref<64xi32, #tpu.memory_space<vmem>>
      %dma_start3A_197 = arith.constant 0 : i32
      %dma_start3A_198 = arith.constant 0 : i32
      %dma_start3A_199 = tpu.memref_slice %arg3[%dma_start3A_197, %dma_start3A_198] : memref<100000x128xf32, #tpu.memory_space<hbm>> -> memref<100000x128xf32, #tpu.memory_space<hbm>>
      tpu.enqueue_indirect_dma source(%dma_start3A_199 : memref<100000x128xf32, #tpu.memory_space<hbm>>) target(%dma_start3A_193 : memref<64x128xf32, #tpu.memory_space<vmem>>) offsets(%dma_start3A_196 : memref<64xi32, #tpu.memory_space<vmem>>) semaphore(%arg8 : memref<!tpu.dma_semaphore, #tpu.memory_space<semaphore_mem>>)
      %add3A_200 = arith.constant 0 : i32
      %add3A_201 = arith.addi %mul3A_115, %add3A_200 : i32
      %dma_wait3A_202 = arith.constant 0 : i32
      %dma_wait3A_203 = arith.constant 0 : i32
      %dma_wait3A_204 = arith.constant 0 : i32
      %dma_wait3A_205 = tpu.memref_slice %arg6[%dma_wait3A_202, %dma_wait3A_203, %dma_wait3A_204] : memref<2x320x128xf32, #tpu.memory_space<vmem>> -> memref<1x320x128xf32, #tpu.memory_space<vmem>>
      %dma_wait3A_206 = tpu.memref_squeeze %dma_wait3A_205 : memref<1x320x128xf32, #tpu.memory_space<vmem>> -> memref<320x128xf32, #tpu.memory_space<vmem>>
      %dma_wait3A_207 = arith.constant 0 : i32
      %dma_wait3A_208 = arith.constant 0 : i32
      %dma_wait3A_209 = tpu.memref_slice %dma_wait3A_206[%dma_wait3A_207, %dma_wait3A_208] : memref<320x128xf32, #tpu.memory_space<vmem>> -> memref<64x128xf32, #tpu.memory_space<vmem>>
      %dma_wait3A_210 = arith.constant 0 : i32
      %dma_wait3A_211 = tpu.memref_slice %arg5[%add3A_201, %dma_wait3A_210] : memref<100x64xi32, #tpu.memory_space<vmem>> -> memref<1x64xi32, #tpu.memory_space<vmem>>
      %dma_wait3A_212 = tpu.memref_squeeze %dma_wait3A_211 : memref<1x64xi32, #tpu.memory_space<vmem>> -> memref<64xi32, #tpu.memory_space<vmem>>
      %dma_wait3A_213 = arith.constant 0 : i32
      %dma_wait3A_214 = arith.constant 0 : i32
      %dma_wait3A_215 = tpu.memref_slice %arg3[%dma_wait3A_213, %dma_wait3A_214] : memref<100000x128xf32, #tpu.memory_space<hbm>> -> memref<100000x128xf32, #tpu.memory_space<hbm>>
      tpu.wait_indirect_dma semaphore(%arg7 : memref<!tpu.dma_semaphore, #tpu.memory_space<semaphore_mem>>) src(%dma_wait3A_215 : memref<100000x128xf32, #tpu.memory_space<hbm>>) dst(%dma_wait3A_209 : memref<64x128xf32, #tpu.memory_space<vmem>>)
      %add3A_216 = arith.constant 1 : i32
      %add3A_217 = arith.addi %mul3A_115, %add3A_216 : i32
      %dma_wait3A_218 = arith.constant 0 : i32
      %dma_wait3A_219 = arith.constant 0 : i32
      %dma_wait3A_220 = arith.constant 0 : i32
      %dma_wait3A_221 = tpu.memref_slice %arg6[%dma_wait3A_218, %dma_wait3A_219, %dma_wait3A_220] : memref<2x320x128xf32, #tpu.memory_space<vmem>> -> memref<1x320x128xf32, #tpu.memory_space<vmem>>
      %dma_wait3A_222 = tpu.memref_squeeze %dma_wait3A_221 : memref<1x320x128xf32, #tpu.memory_space<vmem>> -> memref<320x128xf32, #tpu.memory_space<vmem>>
      %dma_wait3A_223 = arith.constant 64 : i32
      %dma_wait3A_224 = arith.constant 0 : i32
      %dma_wait3A_225 = tpu.memref_slice %dma_wait3A_222[%dma_wait3A_223, %dma_wait3A_224] : memref<320x128xf32, #tpu.memory_space<vmem>> -> memref<64x128xf32, #tpu.memory_space<vmem>>
      %dma_wait3A_226 = arith.constant 0 : i32
      %dma_wait3A_227 = tpu.memref_slice %arg5[%add3A_217, %dma_wait3A_226] : memref<100x64xi32, #tpu.memory_space<vmem>> -> memref<1x64xi32, #tpu.memory_space<vmem>>
      %dma_wait3A_228 = tpu.memref_squeeze %dma_wait3A_227 : memref<1x64xi32, #tpu.memory_space<vmem>> -> memref<64xi32, #tpu.memory_space<vmem>>
      %dma_wait3A_229 = arith.constant 0 : i32
      %dma_wait3A_230 = arith.constant 0 : i32
      %dma_wait3A_231 = tpu.memref_slice %arg3[%dma_wait3A_229, %dma_wait3A_230] : memref<100000x128xf32, #tpu.memory_space<hbm>> -> memref<100000x128xf32, #tpu.memory_space<hbm>>
      tpu.wait_indirect_dma semaphore(%arg7 : memref<!tpu.dma_semaphore, #tpu.memory_space<semaphore_mem>>) src(%dma_wait3A_231 : memref<100000x128xf32, #tpu.memory_space<hbm>>) dst(%dma_wait3A_225 : memref<64x128xf32, #tpu.memory_space<vmem>>)
      %add3A_232 = arith.constant 2 : i32
      %add3A_233 = arith.addi %mul3A_115, %add3A_232 : i32
      %dma_wait3A_234 = arith.constant 0 : i32
      %dma_wait3A_235 = arith.constant 0 : i32
      %dma_wait3A_236 = arith.constant 0 : i32
      %dma_wait3A_237 = tpu.memref_slice %arg6[%dma_wait3A_234, %dma_wait3A_235, %dma_wait3A_236] : memref<2x320x128xf32, #tpu.memory_space<vmem>> -> memref<1x320x128xf32, #tpu.memory_space<vmem>>
      %dma_wait3A_238 = tpu.memref_squeeze %dma_wait3A_237 : memref<1x320x128xf32, #tpu.memory_space<vmem>> -> memref<320x128xf32, #tpu.memory_space<vmem>>
      %dma_wait3A_239 = arith.constant 128 : i32
      %dma_wait3A_240 = arith.constant 0 : i32
      %dma_wait3A_241 = tpu.memref_slice %dma_wait3A_238[%dma_wait3A_239, %dma_wait3A_240] : memref<320x128xf32, #tpu.memory_space<vmem>> -> memref<64x128xf32, #tpu.memory_space<vmem>>
      %dma_wait3A_242 = arith.constant 0 : i32
      %dma_wait3A_243 = tpu.memref_slice %arg5[%add3A_233, %dma_wait3A_242] : memref<100x64xi32, #tpu.memory_space<vmem>> -> memref<1x64xi32, #tpu.memory_space<vmem>>
      %dma_wait3A_244 = tpu.memref_squeeze %dma_wait3A_243 : memref<1x64xi32, #tpu.memory_space<vmem>> -> memref<64xi32, #tpu.memory_space<vmem>>
      %dma_wait3A_245 = arith.constant 0 : i32
      %dma_wait3A_246 = arith.constant 0 : i32
      %dma_wait3A_247 = tpu.memref_slice %arg3[%dma_wait3A_245, %dma_wait3A_246] : memref<100000x128xf32, #tpu.memory_space<hbm>> -> memref<100000x128xf32, #tpu.memory_space<hbm>>
      tpu.wait_indirect_dma semaphore(%arg7 : memref<!tpu.dma_semaphore, #tpu.memory_space<semaphore_mem>>) src(%dma_wait3A_247 : memref<100000x128xf32, #tpu.memory_space<hbm>>) dst(%dma_wait3A_241 : memref<64x128xf32, #tpu.memory_space<vmem>>)
      %add3A_248 = arith.constant 3 : i32
      %add3A_249 = arith.addi %mul3A_115, %add3A_248 : i32
      %dma_wait3A_250 = arith.constant 0 : i32
      %dma_wait3A_251 = arith.constant 0 : i32
      %dma_wait3A_252 = arith.constant 0 : i32
      %dma_wait3A_253 = tpu.memref_slice %arg6[%dma_wait3A_250, %dma_wait3A_251, %dma_wait3A_252] : memref<2x320x128xf32, #tpu.memory_space<vmem>> -> memref<1x320x128xf32, #tpu.memory_space<vmem>>
      %dma_wait3A_254 = tpu.memref_squeeze %dma_wait3A_253 : memref<1x320x128xf32, #tpu.memory_space<vmem>> -> memref<320x128xf32, #tpu.memory_space<vmem>>
      %dma_wait3A_255 = arith.constant 192 : i32
      %dma_wait3A_256 = arith.constant 0 : i32
      %dma_wait3A_257 = tpu.memref_slice %dma_wait3A_254[%dma_wait3A_255, %dma_wait3A_256] : memref<320x128xf32, #tpu.memory_space<vmem>> -> memref<64x128xf32, #tpu.memory_space<vmem>>
      %dma_wait3A_258 = arith.constant 0 : i32
      %dma_wait3A_259 = tpu.memref_slice %arg5[%add3A_249, %dma_wait3A_258] : memref<100x64xi32, #tpu.memory_space<vmem>> -> memref<1x64xi32, #tpu.memory_space<vmem>>
      %dma_wait3A_260 = tpu.memref_squeeze %dma_wait3A_259 : memref<1x64xi32, #tpu.memory_space<vmem>> -> memref<64xi32, #tpu.memory_space<vmem>>
      %dma_wait3A_261 = arith.constant 0 : i32
      %dma_wait3A_262 = arith.constant 0 : i32
      %dma_wait3A_263 = tpu.memref_slice %arg3[%dma_wait3A_261, %dma_wait3A_262] : memref<100000x128xf32, #tpu.memory_space<hbm>> -> memref<100000x128xf32, #tpu.memory_space<hbm>>
      tpu.wait_indirect_dma semaphore(%arg7 : memref<!tpu.dma_semaphore, #tpu.memory_space<semaphore_mem>>) src(%dma_wait3A_263 : memref<100000x128xf32, #tpu.memory_space<hbm>>) dst(%dma_wait3A_257 : memref<64x128xf32, #tpu.memory_space<vmem>>)
      %add3A_264 = arith.constant 4 : i32
      %add3A_265 = arith.addi %mul3A_115, %add3A_264 : i32
      %dma_wait3A_266 = arith.constant 0 : i32
      %dma_wait3A_267 = arith.constant 0 : i32
      %dma_wait3A_268 = arith.constant 0 : i32
      %dma_wait3A_269 = tpu.memref_slice %arg6[%dma_wait3A_266, %dma_wait3A_267, %dma_wait3A_268] : memref<2x320x128xf32, #tpu.memory_space<vmem>> -> memref<1x320x128xf32, #tpu.memory_space<vmem>>
      %dma_wait3A_270 = tpu.memref_squeeze %dma_wait3A_269 : memref<1x320x128xf32, #tpu.memory_space<vmem>> -> memref<320x128xf32, #tpu.memory_space<vmem>>
      %dma_wait3A_271 = arith.constant 256 : i32
      %dma_wait3A_272 = arith.constant 0 : i32
      %dma_wait3A_273 = tpu.memref_slice %dma_wait3A_270[%dma_wait3A_271, %dma_wait3A_272] : memref<320x128xf32, #tpu.memory_space<vmem>> -> memref<64x128xf32, #tpu.memory_space<vmem>>
      %dma_wait3A_274 = arith.constant 0 : i32
      %dma_wait3A_275 = tpu.memref_slice %arg5[%add3A_265, %dma_wait3A_274] : memref<100x64xi32, #tpu.memory_space<vmem>> -> memref<1x64xi32, #tpu.memory_space<vmem>>
      %dma_wait3A_276 = tpu.memref_squeeze %dma_wait3A_275 : memref<1x64xi32, #tpu.memory_space<vmem>> -> memref<64xi32, #tpu.memory_space<vmem>>
      %dma_wait3A_277 = arith.constant 0 : i32
      %dma_wait3A_278 = arith.constant 0 : i32
      %dma_wait3A_279 = tpu.memref_slice %arg3[%dma_wait3A_277, %dma_wait3A_278] : memref<100000x128xf32, #tpu.memory_space<hbm>> -> memref<100000x128xf32, #tpu.memory_space<hbm>>
      tpu.wait_indirect_dma semaphore(%arg7 : memref<!tpu.dma_semaphore, #tpu.memory_space<semaphore_mem>>) src(%dma_wait3A_279 : memref<100000x128xf32, #tpu.memory_space<hbm>>) dst(%dma_wait3A_273 : memref<64x128xf32, #tpu.memory_space<vmem>>)
      %mul3A_280 = arith.constant 64 : i32
      %mul3A_281 = arith.muli %mul3A_115, %mul3A_280 : i32
      %add3A_282 = arith.addi %mul3A_2, %mul3A_281 : i32
      %dma_start3A_283 = arith.constant 0 : i32
      %dma_start3A_284 = arith.constant 0 : i32
      %dma_start3A_285 = arith.constant 0 : i32
      %dma_start3A_286 = tpu.memref_slice %arg6[%dma_start3A_283, %dma_start3A_284, %dma_start3A_285] : memref<2x320x128xf32, #tpu.memory_space<vmem>> -> memref<1x320x128xf32, #tpu.memory_space<vmem>>
      %dma_start3A_287 = tpu.memref_squeeze %dma_start3A_286 : memref<1x320x128xf32, #tpu.memory_space<vmem>> -> memref<320x128xf32, #tpu.memory_space<vmem>>
      %dma_start3A_288 = arith.constant 0 : i32
      %dma_start3A_289 = tpu.memref_slice %arg4[%add3A_282, %dma_start3A_288] : memref<204800x128xf32, #tpu.memory_space<hbm>> -> memref<320x128xf32, #tpu.memory_space<hbm>>
      %dma_start3A_290 = arith.constant 0 : i32
      %dma_start3A_291 = tpu.memref_slice %arg4[%add3A_282, %dma_start3A_290] : memref<204800x128xf32, #tpu.memory_space<hbm>> -> memref<320x128xf32, #tpu.memory_space<hbm>>
      %dma_start3A_292 = arith.constant 0 : i32
      %dma_start3A_293 = arith.constant 0 : i32
      %dma_start3A_294 = tpu.memref_slice %arg6[%dma_start3A_283, %dma_start3A_292, %dma_start3A_293] : memref<2x320x128xf32, #tpu.memory_space<vmem>> -> memref<1x320x128xf32, #tpu.memory_space<vmem>>
      %dma_start3A_295 = tpu.memref_squeeze %dma_start3A_294 : memref<1x320x128xf32, #tpu.memory_space<vmem>> -> memref<320x128xf32, #tpu.memory_space<vmem>>
      tpu.enqueue_dma source(%dma_start3A_295 : memref<320x128xf32, #tpu.memory_space<vmem>>) target(%dma_start3A_291 : memref<320x128xf32, #tpu.memory_space<hbm>>) target_semaphore(%arg9 : memref<!tpu.dma_semaphore, #tpu.memory_space<semaphore_mem>>)
      %lt3A = arith.constant 9 : i32
      %lt3A_296 = arith.cmpi slt, %scan3A_111, %lt3A : i32
      %convert_element_type3A_297 = arith.extui %lt3A_296 : i1 to i32
      %cond3A_298 = arith.constant 0 : i32
      %cond3A_299 = arith.cmpi ne, %convert_element_type3A_297, %cond3A_298 : i32
      scf.if %cond3A_299 {
        %mul3A_400 = arith.constant 64 : i32
        %mul3A_401 = arith.muli %mul3A_115, %mul3A_400 : i32
        %add3A_402 = arith.addi %mul3A_2, %mul3A_401 : i32
        %dma_wait3A_403 = arith.constant 0 : i32
        %dma_wait3A_404 = arith.constant 0 : i32
        %dma_wait3A_405 = arith.constant 0 : i32
        %dma_wait3A_406 = tpu.memref_slice %arg6[%dma_wait3A_403, %dma_wait3A_404, %dma_wait3A_405] : memref<2x320x128xf32, #tpu.memory_space<vmem>> -> memref<1x320x128xf32, #tpu.memory_space<vmem>>
        %dma_wait3A_407 = tpu.memref_squeeze %dma_wait3A_406 : memref<1x320x128xf32, #tpu.memory_space<vmem>> -> memref<320x128xf32, #tpu.memory_space<vmem>>
        %dma_wait3A_408 = arith.constant 0 : i32
        %dma_wait3A_409 = tpu.memref_slice %arg4[%add3A_402, %dma_wait3A_408] : memref<204800x128xf32, #tpu.memory_space<hbm>> -> memref<320x128xf32, #tpu.memory_space<hbm>>
        %dma_wait3A_410 = arith.constant 0 : i32
        %dma_wait3A_411 = tpu.memref_slice %arg4[%add3A_402, %dma_wait3A_410] : memref<204800x128xf32, #tpu.memory_space<hbm>> -> memref<320x128xf32, #tpu.memory_space<hbm>>
        %dma_wait3A_412 = arith.constant 0 : i32
        %dma_wait3A_413 = arith.constant 0 : i32
        %dma_wait3A_414 = tpu.memref_slice %arg6[%dma_wait3A_403, %dma_wait3A_412, %dma_wait3A_413] : memref<2x320x128xf32, #tpu.memory_space<vmem>> -> memref<1x320x128xf32, #tpu.memory_space<vmem>>
        %dma_wait3A_415 = tpu.memref_squeeze %dma_wait3A_414 : memref<1x320x128xf32, #tpu.memory_space<vmem>> -> memref<320x128xf32, #tpu.memory_space<vmem>>
        tpu.wait_dma2 semaphore(%arg9 : memref<!tpu.dma_semaphore, #tpu.memory_space<semaphore_mem>>) src(%dma_wait3A_415 : memref<320x128xf32, #tpu.memory_space<vmem>>) dst(%dma_wait3A_411 : memref<320x128xf32, #tpu.memory_space<hbm>>)
        %add3A_416 = arith.constant 10 : i32
        %add3A_417 = arith.addi %mul3A_115, %add3A_416 : i32
        %add3A_418 = arith.constant 0 : i32
        %add3A_419 = arith.addi %add3A_417, %add3A_418 : i32
        %dma_start3A_420 = arith.constant 0 : i32
        %dma_start3A_421 = arith.constant 0 : i32
        %dma_start3A_422 = arith.constant 0 : i32
        %dma_start3A_423 = tpu.memref_slice %arg6[%dma_start3A_420, %dma_start3A_421, %dma_start3A_422] : memref<2x320x128xf32, #tpu.memory_space<vmem>> -> memref<1x320x128xf32, #tpu.memory_space<vmem>>
        %dma_start3A_424 = tpu.memref_squeeze %dma_start3A_423 : memref<1x320x128xf32, #tpu.memory_space<vmem>> -> memref<320x128xf32, #tpu.memory_space<vmem>>
        %dma_start3A_425 = arith.constant 0 : i32
        %dma_start3A_426 = arith.constant 0 : i32
        %dma_start3A_427 = tpu.memref_slice %dma_start3A_424[%dma_start3A_425, %dma_start3A_426] : memref<320x128xf32, #tpu.memory_space<vmem>> -> memref<64x128xf32, #tpu.memory_space<vmem>>
        %dma_start3A_428 = arith.constant 0 : i32
        %dma_start3A_429 = tpu.memref_slice %arg5[%add3A_419, %dma_start3A_428] : memref<100x64xi32, #tpu.memory_space<vmem>> -> memref<1x64xi32, #tpu.memory_space<vmem>>
        %dma_start3A_430 = tpu.memref_squeeze %dma_start3A_429 : memref<1x64xi32, #tpu.memory_space<vmem>> -> memref<64xi32, #tpu.memory_space<vmem>>
        %dma_start3A_431 = arith.constant 0 : i32
        %dma_start3A_432 = arith.constant 0 : i32
        %dma_start3A_433 = tpu.memref_slice %arg3[%dma_start3A_431, %dma_start3A_432] : memref<100000x128xf32, #tpu.memory_space<hbm>> -> memref<100000x128xf32, #tpu.memory_space<hbm>>
        tpu.enqueue_indirect_dma source(%dma_start3A_433 : memref<100000x128xf32, #tpu.memory_space<hbm>>) target(%dma_start3A_427 : memref<64x128xf32, #tpu.memory_space<vmem>>) offsets(%dma_start3A_430 : memref<64xi32, #tpu.memory_space<vmem>>) semaphore(%arg7 : memref<!tpu.dma_semaphore, #tpu.memory_space<semaphore_mem>>)
        %add3A_434 = arith.constant 1 : i32
        %add3A_435 = arith.addi %add3A_417, %add3A_434 : i32
        %dma_start3A_436 = arith.constant 0 : i32
        %dma_start3A_437 = arith.constant 0 : i32
        %dma_start3A_438 = arith.constant 0 : i32
        %dma_start3A_439 = tpu.memref_slice %arg6[%dma_start3A_436, %dma_start3A_437, %dma_start3A_438] : memref<2x320x128xf32, #tpu.memory_space<vmem>> -> memref<1x320x128xf32, #tpu.memory_space<vmem>>
        %dma_start3A_440 = tpu.memref_squeeze %dma_start3A_439 : memref<1x320x128xf32, #tpu.memory_space<vmem>> -> memref<320x128xf32, #tpu.memory_space<vmem>>
        %dma_start3A_441 = arith.constant 64 : i32
        %dma_start3A_442 = arith.constant 0 : i32
        %dma_start3A_443 = tpu.memref_slice %dma_start3A_440[%dma_start3A_441, %dma_start3A_442] : memref<320x128xf32, #tpu.memory_space<vmem>> -> memref<64x128xf32, #tpu.memory_space<vmem>>
        %dma_start3A_444 = arith.constant 0 : i32
        %dma_start3A_445 = tpu.memref_slice %arg5[%add3A_435, %dma_start3A_444] : memref<100x64xi32, #tpu.memory_space<vmem>> -> memref<1x64xi32, #tpu.memory_space<vmem>>
        %dma_start3A_446 = tpu.memref_squeeze %dma_start3A_445 : memref<1x64xi32, #tpu.memory_space<vmem>> -> memref<64xi32, #tpu.memory_space<vmem>>
        %dma_start3A_447 = arith.constant 0 : i32
        %dma_start3A_448 = arith.constant 0 : i32
        %dma_start3A_449 = tpu.memref_slice %arg3[%dma_start3A_447, %dma_start3A_448] : memref<100000x128xf32, #tpu.memory_space<hbm>> -> memref<100000x128xf32, #tpu.memory_space<hbm>>
        tpu.enqueue_indirect_dma source(%dma_start3A_449 : memref<100000x128xf32, #tpu.memory_space<hbm>>) target(%dma_start3A_443 : memref<64x128xf32, #tpu.memory_space<vmem>>) offsets(%dma_start3A_446 : memref<64xi32, #tpu.memory_space<vmem>>) semaphore(%arg7 : memref<!tpu.dma_semaphore, #tpu.memory_space<semaphore_mem>>)
        %add3A_450 = arith.constant 2 : i32
        %add3A_451 = arith.addi %add3A_417, %add3A_450 : i32
        %dma_start3A_452 = arith.constant 0 : i32
        %dma_start3A_453 = arith.constant 0 : i32
        %dma_start3A_454 = arith.constant 0 : i32
        %dma_start3A_455 = tpu.memref_slice %arg6[%dma_start3A_452, %dma_start3A_453, %dma_start3A_454] : memref<2x320x128xf32, #tpu.memory_space<vmem>> -> memref<1x320x128xf32, #tpu.memory_space<vmem>>
        %dma_start3A_456 = tpu.memref_squeeze %dma_start3A_455 : memref<1x320x128xf32, #tpu.memory_space<vmem>> -> memref<320x128xf32, #tpu.memory_space<vmem>>
        %dma_start3A_457 = arith.constant 128 : i32
        %dma_start3A_458 = arith.constant 0 : i32
        %dma_start3A_459 = tpu.memref_slice %dma_start3A_456[%dma_start3A_457, %dma_start3A_458] : memref<320x128xf32, #tpu.memory_space<vmem>> -> memref<64x128xf32, #tpu.memory_space<vmem>>
        %dma_start3A_460 = arith.constant 0 : i32
        %dma_start3A_461 = tpu.memref_slice %arg5[%add3A_451, %dma_start3A_460] : memref<100x64xi32, #tpu.memory_space<vmem>> -> memref<1x64xi32, #tpu.memory_space<vmem>>
        %dma_start3A_462 = tpu.memref_squeeze %dma_start3A_461 : memref<1x64xi32, #tpu.memory_space<vmem>> -> memref<64xi32, #tpu.memory_space<vmem>>
        %dma_start3A_463 = arith.constant 0 : i32
        %dma_start3A_464 = arith.constant 0 : i32
        %dma_start3A_465 = tpu.memref_slice %arg3[%dma_start3A_463, %dma_start3A_464] : memref<100000x128xf32, #tpu.memory_space<hbm>> -> memref<100000x128xf32, #tpu.memory_space<hbm>>
        tpu.enqueue_indirect_dma source(%dma_start3A_465 : memref<100000x128xf32, #tpu.memory_space<hbm>>) target(%dma_start3A_459 : memref<64x128xf32, #tpu.memory_space<vmem>>) offsets(%dma_start3A_462 : memref<64xi32, #tpu.memory_space<vmem>>) semaphore(%arg7 : memref<!tpu.dma_semaphore, #tpu.memory_space<semaphore_mem>>)
        %add3A_466 = arith.constant 3 : i32
        %add3A_467 = arith.addi %add3A_417, %add3A_466 : i32
        %dma_start3A_468 = arith.constant 0 : i32
        %dma_start3A_469 = arith.constant 0 : i32
        %dma_start3A_470 = arith.constant 0 : i32
        %dma_start3A_471 = tpu.memref_slice %arg6[%dma_start3A_468, %dma_start3A_469, %dma_start3A_470] : memref<2x320x128xf32, #tpu.memory_space<vmem>> -> memref<1x320x128xf32, #tpu.memory_space<vmem>>
        %dma_start3A_472 = tpu.memref_squeeze %dma_start3A_471 : memref<1x320x128xf32, #tpu.memory_space<vmem>> -> memref<320x128xf32, #tpu.memory_space<vmem>>
        %dma_start3A_473 = arith.constant 192 : i32
        %dma_start3A_474 = arith.constant 0 : i32
        %dma_start3A_475 = tpu.memref_slice %dma_start3A_472[%dma_start3A_473, %dma_start3A_474] : memref<320x128xf32, #tpu.memory_space<vmem>> -> memref<64x128xf32, #tpu.memory_space<vmem>>
        %dma_start3A_476 = arith.constant 0 : i32
        %dma_start3A_477 = tpu.memref_slice %arg5[%add3A_467, %dma_start3A_476] : memref<100x64xi32, #tpu.memory_space<vmem>> -> memref<1x64xi32, #tpu.memory_space<vmem>>
        %dma_start3A_478 = tpu.memref_squeeze %dma_start3A_477 : memref<1x64xi32, #tpu.memory_space<vmem>> -> memref<64xi32, #tpu.memory_space<vmem>>
        %dma_start3A_479 = arith.constant 0 : i32
        %dma_start3A_480 = arith.constant 0 : i32
        %dma_start3A_481 = tpu.memref_slice %arg3[%dma_start3A_479, %dma_start3A_480] : memref<100000x128xf32, #tpu.memory_space<hbm>> -> memref<100000x128xf32, #tpu.memory_space<hbm>>
        tpu.enqueue_indirect_dma source(%dma_start3A_481 : memref<100000x128xf32, #tpu.memory_space<hbm>>) target(%dma_start3A_475 : memref<64x128xf32, #tpu.memory_space<vmem>>) offsets(%dma_start3A_478 : memref<64xi32, #tpu.memory_space<vmem>>) semaphore(%arg7 : memref<!tpu.dma_semaphore, #tpu.memory_space<semaphore_mem>>)
        %add3A_482 = arith.constant 4 : i32
        %add3A_483 = arith.addi %add3A_417, %add3A_482 : i32
        %dma_start3A_484 = arith.constant 0 : i32
        %dma_start3A_485 = arith.constant 0 : i32
        %dma_start3A_486 = arith.constant 0 : i32
        %dma_start3A_487 = tpu.memref_slice %arg6[%dma_start3A_484, %dma_start3A_485, %dma_start3A_486] : memref<2x320x128xf32, #tpu.memory_space<vmem>> -> memref<1x320x128xf32, #tpu.memory_space<vmem>>
        %dma_start3A_488 = tpu.memref_squeeze %dma_start3A_487 : memref<1x320x128xf32, #tpu.memory_space<vmem>> -> memref<320x128xf32, #tpu.memory_space<vmem>>
        %dma_start3A_489 = arith.constant 256 : i32
        %dma_start3A_490 = arith.constant 0 : i32
        %dma_start3A_491 = tpu.memref_slice %dma_start3A_488[%dma_start3A_489, %dma_start3A_490] : memref<320x128xf32, #tpu.memory_space<vmem>> -> memref<64x128xf32, #tpu.memory_space<vmem>>
        %dma_start3A_492 = arith.constant 0 : i32
        %dma_start3A_493 = tpu.memref_slice %arg5[%add3A_483, %dma_start3A_492] : memref<100x64xi32, #tpu.memory_space<vmem>> -> memref<1x64xi32, #tpu.memory_space<vmem>>
        %dma_start3A_494 = tpu.memref_squeeze %dma_start3A_493 : memref<1x64xi32, #tpu.memory_space<vmem>> -> memref<64xi32, #tpu.memory_space<vmem>>
        %dma_start3A_495 = arith.constant 0 : i32
        %dma_start3A_496 = arith.constant 0 : i32
        %dma_start3A_497 = tpu.memref_slice %arg3[%dma_start3A_495, %dma_start3A_496] : memref<100000x128xf32, #tpu.memory_space<hbm>> -> memref<100000x128xf32, #tpu.memory_space<hbm>>
        tpu.enqueue_indirect_dma source(%dma_start3A_497 : memref<100000x128xf32, #tpu.memory_space<hbm>>) target(%dma_start3A_491 : memref<64x128xf32, #tpu.memory_space<vmem>>) offsets(%dma_start3A_494 : memref<64xi32, #tpu.memory_space<vmem>>) semaphore(%arg7 : memref<!tpu.dma_semaphore, #tpu.memory_space<semaphore_mem>>)
      } else {
      }
      %add3A_300 = arith.constant 5 : i32
      %add3A_301 = arith.addi %mul3A_115, %add3A_300 : i32
      %add3A_302 = arith.constant 0 : i32
      %add3A_303 = arith.addi %add3A_301, %add3A_302 : i32
      %dma_wait3A_304 = arith.constant 1 : i32
      %dma_wait3A_305 = arith.constant 0 : i32
      %dma_wait3A_306 = arith.constant 0 : i32
      %dma_wait3A_307 = tpu.memref_slice %arg6[%dma_wait3A_304, %dma_wait3A_305, %dma_wait3A_306] : memref<2x320x128xf32, #tpu.memory_space<vmem>> -> memref<1x320x128xf32, #tpu.memory_space<vmem>>
      %dma_wait3A_308 = tpu.memref_squeeze %dma_wait3A_307 : memref<1x320x128xf32, #tpu.memory_space<vmem>> -> memref<320x128xf32, #tpu.memory_space<vmem>>
      %dma_wait3A_309 = arith.constant 0 : i32
      %dma_wait3A_310 = arith.constant 0 : i32
      %dma_wait3A_311 = tpu.memref_slice %dma_wait3A_308[%dma_wait3A_309, %dma_wait3A_310] : memref<320x128xf32, #tpu.memory_space<vmem>> -> memref<64x128xf32, #tpu.memory_space<vmem>>
      %dma_wait3A_312 = arith.constant 0 : i32
      %dma_wait3A_313 = tpu.memref_slice %arg5[%add3A_303, %dma_wait3A_312] : memref<100x64xi32, #tpu.memory_space<vmem>> -> memref<1x64xi32, #tpu.memory_space<vmem>>
      %dma_wait3A_314 = tpu.memref_squeeze %dma_wait3A_313 : memref<1x64xi32, #tpu.memory_space<vmem>> -> memref<64xi32, #tpu.memory_space<vmem>>
      %dma_wait3A_315 = arith.constant 0 : i32
      %dma_wait3A_316 = arith.constant 0 : i32
      %dma_wait3A_317 = tpu.memref_slice %arg3[%dma_wait3A_315, %dma_wait3A_316] : memref<100000x128xf32, #tpu.memory_space<hbm>> -> memref<100000x128xf32, #tpu.memory_space<hbm>>
      tpu.wait_indirect_dma semaphore(%arg8 : memref<!tpu.dma_semaphore, #tpu.memory_space<semaphore_mem>>) src(%dma_wait3A_317 : memref<100000x128xf32, #tpu.memory_space<hbm>>) dst(%dma_wait3A_311 : memref<64x128xf32, #tpu.memory_space<vmem>>)
      %add3A_318 = arith.constant 1 : i32
      %add3A_319 = arith.addi %add3A_301, %add3A_318 : i32
      %dma_wait3A_320 = arith.constant 1 : i32
      %dma_wait3A_321 = arith.constant 0 : i32
      %dma_wait3A_322 = arith.constant 0 : i32
      %dma_wait3A_323 = tpu.memref_slice %arg6[%dma_wait3A_320, %dma_wait3A_321, %dma_wait3A_322] : memref<2x320x128xf32, #tpu.memory_space<vmem>> -> memref<1x320x128xf32, #tpu.memory_space<vmem>>
      %dma_wait3A_324 = tpu.memref_squeeze %dma_wait3A_323 : memref<1x320x128xf32, #tpu.memory_space<vmem>> -> memref<320x128xf32, #tpu.memory_space<vmem>>
      %dma_wait3A_325 = arith.constant 64 : i32
      %dma_wait3A_326 = arith.constant 0 : i32
      %dma_wait3A_327 = tpu.memref_slice %dma_wait3A_324[%dma_wait3A_325, %dma_wait3A_326] : memref<320x128xf32, #tpu.memory_space<vmem>> -> memref<64x128xf32, #tpu.memory_space<vmem>>
      %dma_wait3A_328 = arith.constant 0 : i32
      %dma_wait3A_329 = tpu.memref_slice %arg5[%add3A_319, %dma_wait3A_328] : memref<100x64xi32, #tpu.memory_space<vmem>> -> memref<1x64xi32, #tpu.memory_space<vmem>>
      %dma_wait3A_330 = tpu.memref_squeeze %dma_wait3A_329 : memref<1x64xi32, #tpu.memory_space<vmem>> -> memref<64xi32, #tpu.memory_space<vmem>>
      %dma_wait3A_331 = arith.constant 0 : i32
      %dma_wait3A_332 = arith.constant 0 : i32
      %dma_wait3A_333 = tpu.memref_slice %arg3[%dma_wait3A_331, %dma_wait3A_332] : memref<100000x128xf32, #tpu.memory_space<hbm>> -> memref<100000x128xf32, #tpu.memory_space<hbm>>
      tpu.wait_indirect_dma semaphore(%arg8 : memref<!tpu.dma_semaphore, #tpu.memory_space<semaphore_mem>>) src(%dma_wait3A_333 : memref<100000x128xf32, #tpu.memory_space<hbm>>) dst(%dma_wait3A_327 : memref<64x128xf32, #tpu.memory_space<vmem>>)
      %add3A_334 = arith.constant 2 : i32
      %add3A_335 = arith.addi %add3A_301, %add3A_334 : i32
      %dma_wait3A_336 = arith.constant 1 : i32
      %dma_wait3A_337 = arith.constant 0 : i32
      %dma_wait3A_338 = arith.constant 0 : i32
      %dma_wait3A_339 = tpu.memref_slice %arg6[%dma_wait3A_336, %dma_wait3A_337, %dma_wait3A_338] : memref<2x320x128xf32, #tpu.memory_space<vmem>> -> memref<1x320x128xf32, #tpu.memory_space<vmem>>
      %dma_wait3A_340 = tpu.memref_squeeze %dma_wait3A_339 : memref<1x320x128xf32, #tpu.memory_space<vmem>> -> memref<320x128xf32, #tpu.memory_space<vmem>>
      %dma_wait3A_341 = arith.constant 128 : i32
      %dma_wait3A_342 = arith.constant 0 : i32
      %dma_wait3A_343 = tpu.memref_slice %dma_wait3A_340[%dma_wait3A_341, %dma_wait3A_342] : memref<320x128xf32, #tpu.memory_space<vmem>> -> memref<64x128xf32, #tpu.memory_space<vmem>>
      %dma_wait3A_344 = arith.constant 0 : i32
      %dma_wait3A_345 = tpu.memref_slice %arg5[%add3A_335, %dma_wait3A_344] : memref<100x64xi32, #tpu.memory_space<vmem>> -> memref<1x64xi32, #tpu.memory_space<vmem>>
      %dma_wait3A_346 = tpu.memref_squeeze %dma_wait3A_345 : memref<1x64xi32, #tpu.memory_space<vmem>> -> memref<64xi32, #tpu.memory_space<vmem>>
      %dma_wait3A_347 = arith.constant 0 : i32
      %dma_wait3A_348 = arith.constant 0 : i32
      %dma_wait3A_349 = tpu.memref_slice %arg3[%dma_wait3A_347, %dma_wait3A_348] : memref<100000x128xf32, #tpu.memory_space<hbm>> -> memref<100000x128xf32, #tpu.memory_space<hbm>>
      tpu.wait_indirect_dma semaphore(%arg8 : memref<!tpu.dma_semaphore, #tpu.memory_space<semaphore_mem>>) src(%dma_wait3A_349 : memref<100000x128xf32, #tpu.memory_space<hbm>>) dst(%dma_wait3A_343 : memref<64x128xf32, #tpu.memory_space<vmem>>)
      %add3A_350 = arith.constant 3 : i32
      %add3A_351 = arith.addi %add3A_301, %add3A_350 : i32
      %dma_wait3A_352 = arith.constant 1 : i32
      %dma_wait3A_353 = arith.constant 0 : i32
      %dma_wait3A_354 = arith.constant 0 : i32
      %dma_wait3A_355 = tpu.memref_slice %arg6[%dma_wait3A_352, %dma_wait3A_353, %dma_wait3A_354] : memref<2x320x128xf32, #tpu.memory_space<vmem>> -> memref<1x320x128xf32, #tpu.memory_space<vmem>>
      %dma_wait3A_356 = tpu.memref_squeeze %dma_wait3A_355 : memref<1x320x128xf32, #tpu.memory_space<vmem>> -> memref<320x128xf32, #tpu.memory_space<vmem>>
      %dma_wait3A_357 = arith.constant 192 : i32
      %dma_wait3A_358 = arith.constant 0 : i32
      %dma_wait3A_359 = tpu.memref_slice %dma_wait3A_356[%dma_wait3A_357, %dma_wait3A_358] : memref<320x128xf32, #tpu.memory_space<vmem>> -> memref<64x128xf32, #tpu.memory_space<vmem>>
      %dma_wait3A_360 = arith.constant 0 : i32
      %dma_wait3A_361 = tpu.memref_slice %arg5[%add3A_351, %dma_wait3A_360] : memref<100x64xi32, #tpu.memory_space<vmem>> -> memref<1x64xi32, #tpu.memory_space<vmem>>
      %dma_wait3A_362 = tpu.memref_squeeze %dma_wait3A_361 : memref<1x64xi32, #tpu.memory_space<vmem>> -> memref<64xi32, #tpu.memory_space<vmem>>
      %dma_wait3A_363 = arith.constant 0 : i32
      %dma_wait3A_364 = arith.constant 0 : i32
      %dma_wait3A_365 = tpu.memref_slice %arg3[%dma_wait3A_363, %dma_wait3A_364] : memref<100000x128xf32, #tpu.memory_space<hbm>> -> memref<100000x128xf32, #tpu.memory_space<hbm>>
      tpu.wait_indirect_dma semaphore(%arg8 : memref<!tpu.dma_semaphore, #tpu.memory_space<semaphore_mem>>) src(%dma_wait3A_365 : memref<100000x128xf32, #tpu.memory_space<hbm>>) dst(%dma_wait3A_359 : memref<64x128xf32, #tpu.memory_space<vmem>>)
      %add3A_366 = arith.constant 4 : i32
      %add3A_367 = arith.addi %add3A_301, %add3A_366 : i32
      %dma_wait3A_368 = arith.constant 1 : i32
      %dma_wait3A_369 = arith.constant 0 : i32
      %dma_wait3A_370 = arith.constant 0 : i32
      %dma_wait3A_371 = tpu.memref_slice %arg6[%dma_wait3A_368, %dma_wait3A_369, %dma_wait3A_370] : memref<2x320x128xf32, #tpu.memory_space<vmem>> -> memref<1x320x128xf32, #tpu.memory_space<vmem>>
      %dma_wait3A_372 = tpu.memref_squeeze %dma_wait3A_371 : memref<1x320x128xf32, #tpu.memory_space<vmem>> -> memref<320x128xf32, #tpu.memory_space<vmem>>
      %dma_wait3A_373 = arith.constant 256 : i32
      %dma_wait3A_374 = arith.constant 0 : i32
      %dma_wait3A_375 = tpu.memref_slice %dma_wait3A_372[%dma_wait3A_373, %dma_wait3A_374] : memref<320x128xf32, #tpu.memory_space<vmem>> -> memref<64x128xf32, #tpu.memory_space<vmem>>
      %dma_wait3A_376 = arith.constant 0 : i32
      %dma_wait3A_377 = tpu.memref_slice %arg5[%add3A_367, %dma_wait3A_376] : memref<100x64xi32, #tpu.memory_space<vmem>> -> memref<1x64xi32, #tpu.memory_space<vmem>>
      %dma_wait3A_378 = tpu.memref_squeeze %dma_wait3A_377 : memref<1x64xi32, #tpu.memory_space<vmem>> -> memref<64xi32, #tpu.memory_space<vmem>>
      %dma_wait3A_379 = arith.constant 0 : i32
      %dma_wait3A_380 = arith.constant 0 : i32
      %dma_wait3A_381 = tpu.memref_slice %arg3[%dma_wait3A_379, %dma_wait3A_380] : memref<100000x128xf32, #tpu.memory_space<hbm>> -> memref<100000x128xf32, #tpu.memory_space<hbm>>
      tpu.wait_indirect_dma semaphore(%arg8 : memref<!tpu.dma_semaphore, #tpu.memory_space<semaphore_mem>>) src(%dma_wait3A_381 : memref<100000x128xf32, #tpu.memory_space<hbm>>) dst(%dma_wait3A_375 : memref<64x128xf32, #tpu.memory_space<vmem>>)
      %add3A_382 = arith.constant 5 : i32
      %add3A_383 = arith.addi %mul3A_115, %add3A_382 : i32
      %mul3A_384 = arith.constant 64 : i32
      %mul3A_385 = arith.muli %add3A_383, %mul3A_384 : i32
      %add3A_386 = arith.addi %mul3A_2, %mul3A_385 : i32
      %dma_start3A_387 = arith.constant 1 : i32
      %dma_start3A_388 = arith.constant 0 : i32
      %dma_start3A_389 = arith.constant 0 : i32
      %dma_start3A_390 = tpu.memref_slice %arg6[%dma_start3A_387, %dma_start3A_388, %dma_start3A_389] : memref<2x320x128xf32, #tpu.memory_space<vmem>> -> memref<1x320x128xf32, #tpu.memory_space<vmem>>
      %dma_start3A_391 = tpu.memref_squeeze %dma_start3A_390 : memref<1x320x128xf32, #tpu.memory_space<vmem>> -> memref<320x128xf32, #tpu.memory_space<vmem>>
      %dma_start3A_392 = arith.constant 0 : i32
      %dma_start3A_393 = tpu.memref_slice %arg4[%add3A_386, %dma_start3A_392] : memref<204800x128xf32, #tpu.memory_space<hbm>> -> memref<320x128xf32, #tpu.memory_space<hbm>>
      %dma_start3A_394 = arith.constant 0 : i32
      %dma_start3A_395 = tpu.memref_slice %arg4[%add3A_386, %dma_start3A_394] : memref<204800x128xf32, #tpu.memory_space<hbm>> -> memref<320x128xf32, #tpu.memory_space<hbm>>
      %dma_start3A_396 = arith.constant 0 : i32
      %dma_start3A_397 = arith.constant 0 : i32
      %dma_start3A_398 = tpu.memref_slice %arg6[%dma_start3A_387, %dma_start3A_396, %dma_start3A_397] : memref<2x320x128xf32, #tpu.memory_space<vmem>> -> memref<1x320x128xf32, #tpu.memory_space<vmem>>
      %dma_start3A_399 = tpu.memref_squeeze %dma_start3A_398 : memref<1x320x128xf32, #tpu.memory_space<vmem>> -> memref<320x128xf32, #tpu.memory_space<vmem>>
      tpu.enqueue_dma source(%dma_start3A_399 : memref<320x128xf32, #tpu.memory_space<vmem>>) target(%dma_start3A_395 : memref<320x128xf32, #tpu.memory_space<hbm>>) target_semaphore(%arg10 : memref<!tpu.dma_semaphore, #tpu.memory_space<semaphore_mem>>)
    }
    %scan3A_81 = arith.constant 10 : i32
    %add3A_82 = arith.constant 5760 : i32
    %add3A_83 = arith.addi %mul3A_2, %add3A_82 : i32
    %dma_wait3A = arith.constant 0 : i32
    %dma_wait3A_84 = arith.constant 0 : i32
    %dma_wait3A_85 = arith.constant 0 : i32
    %dma_wait3A_86 = tpu.memref_slice %arg6[%dma_wait3A, %dma_wait3A_84, %dma_wait3A_85] : memref<2x320x128xf32, #tpu.memory_space<vmem>> -> memref<1x320x128xf32, #tpu.memory_space<vmem>>
    %dma_wait3A_87 = tpu.memref_squeeze %dma_wait3A_86 : memref<1x320x128xf32, #tpu.memory_space<vmem>> -> memref<320x128xf32, #tpu.memory_space<vmem>>
    %dma_wait3A_88 = arith.constant 0 : i32
    %dma_wait3A_89 = tpu.memref_slice %arg4[%add3A_83, %dma_wait3A_88] : memref<204800x128xf32, #tpu.memory_space<hbm>> -> memref<320x128xf32, #tpu.memory_space<hbm>>
    %dma_wait3A_90 = arith.constant 0 : i32
    %dma_wait3A_91 = tpu.memref_slice %arg4[%add3A_83, %dma_wait3A_90] : memref<204800x128xf32, #tpu.memory_space<hbm>> -> memref<320x128xf32, #tpu.memory_space<hbm>>
    %dma_wait3A_92 = arith.constant 0 : i32
    %dma_wait3A_93 = arith.constant 0 : i32
    %dma_wait3A_94 = tpu.memref_slice %arg6[%dma_wait3A, %dma_wait3A_92, %dma_wait3A_93] : memref<2x320x128xf32, #tpu.memory_space<vmem>> -> memref<1x320x128xf32, #tpu.memory_space<vmem>>
    %dma_wait3A_95 = tpu.memref_squeeze %dma_wait3A_94 : memref<1x320x128xf32, #tpu.memory_space<vmem>> -> memref<320x128xf32, #tpu.memory_space<vmem>>
    tpu.wait_dma2 semaphore(%arg9 : memref<!tpu.dma_semaphore, #tpu.memory_space<semaphore_mem>>) src(%dma_wait3A_95 : memref<320x128xf32, #tpu.memory_space<vmem>>) dst(%dma_wait3A_91 : memref<320x128xf32, #tpu.memory_space<hbm>>)
    %add3A_96 = arith.constant 6080 : i32
    %add3A_97 = arith.addi %mul3A_2, %add3A_96 : i32
    %dma_wait3A_98 = arith.constant 1 : i32
    %dma_wait3A_99 = arith.constant 0 : i32
    %dma_wait3A_100 = arith.constant 0 : i32
    %dma_wait3A_101 = tpu.memref_slice %arg6[%dma_wait3A_98, %dma_wait3A_99, %dma_wait3A_100] : memref<2x320x128xf32, #tpu.memory_space<vmem>> -> memref<1x320x128xf32, #tpu.memory_space<vmem>>
    %dma_wait3A_102 = tpu.memref_squeeze %dma_wait3A_101 : memref<1x320x128xf32, #tpu.memory_space<vmem>> -> memref<320x128xf32, #tpu.memory_space<vmem>>
    %dma_wait3A_103 = arith.constant 0 : i32
    %dma_wait3A_104 = tpu.memref_slice %arg4[%add3A_97, %dma_wait3A_103] : memref<204800x128xf32, #tpu.memory_space<hbm>> -> memref<320x128xf32, #tpu.memory_space<hbm>>
    %dma_wait3A_105 = arith.constant 0 : i32
    %dma_wait3A_106 = tpu.memref_slice %arg4[%add3A_97, %dma_wait3A_105] : memref<204800x128xf32, #tpu.memory_space<hbm>> -> memref<320x128xf32, #tpu.memory_space<hbm>>
    %dma_wait3A_107 = arith.constant 0 : i32
    %dma_wait3A_108 = arith.constant 0 : i32
    %dma_wait3A_109 = tpu.memref_slice %arg6[%dma_wait3A_98, %dma_wait3A_107, %dma_wait3A_108] : memref<2x320x128xf32, #tpu.memory_space<vmem>> -> memref<1x320x128xf32, #tpu.memory_space<vmem>>
    %dma_wait3A_110 = tpu.memref_squeeze %dma_wait3A_109 : memref<1x320x128xf32, #tpu.memory_space<vmem>> -> memref<320x128xf32, #tpu.memory_space<vmem>>
    tpu.wait_dma2 semaphore(%arg10 : memref<!tpu.dma_semaphore, #tpu.memory_space<semaphore_mem>>) src(%dma_wait3A_110 : memref<320x128xf32, #tpu.memory_space<vmem>>) dst(%dma_wait3A_106 : memref<320x128xf32, #tpu.memory_space<hbm>>)
    return
  }
}

module attributes {stable_mosaic.version = 14 : i64} {
  func.func @_proj_body(%arg0: i32, %arg1: memref<10000x128xf32, #tpu.memory_space<vmem>>, %arg2: memref<128x128xbf16, #tpu.memory_space<vmem>>, %arg3: memref<1x128xf32, #tpu.memory_space<vmem>>, %arg4: memref<10000x128xf32, #tpu.memory_space<vmem>>) attributes {dimension_semantics = [#tpu.dimension_semantics<arbitrary>], iteration_bounds = array<i64: 10>, scalar_prefetch = 0 : i64, scratch_operands = 0 : i64, tpu.core_type = #tpu.core_type<tc>, window_params = [{transform_indices = @transform_0, window_bounds = array<i64: 10000, 128>}, {pipeline_mode = #tpu.pipeline_mode<synchronous>, transform_indices = @transform_1, window_bounds = array<i64: 128, 128>}, {pipeline_mode = #tpu.pipeline_mode<synchronous>, transform_indices = @transform_2, window_bounds = array<i64: 1, 128>}, {transform_indices = @transform_3, window_bounds = array<i64: 10000, 128>}]} {
    %get3A = arith.constant 0 : index
    %get3A_0 = arith.constant 0 : index
    %get3A_1 = vector.load %arg1[%get3A, %get3A_0] : memref<10000x128xf32, #tpu.memory_space<vmem>>, vector<10000x128xf32>
    %convert_element_type3A = arith.truncf %get3A_1 : vector<10000x128xf32> to vector<10000x128xbf16>
    %get3A_2 = arith.constant 0 : index
    %get3A_3 = arith.constant 0 : index
    %get3A_4 = vector.load %arg2[%get3A_2, %get3A_3] : memref<128x128xbf16, #tpu.memory_space<vmem>>, vector<128x128xbf16>
    %dot_general3A = arith.constant dense<0.000000e+00> : vector<10000x128xf32>
    %dot_general3A_5 = tpu.matmul %convert_element_type3A, %get3A_4, %dot_general3A {dimension_numbers = #tpu.dot_dimension_numbers<[1], [0], [0], [1], [0, 0, 1, 1], [], []>, transpose_lhs_hint = false} : vector<10000x128xbf16>, vector<128x128xbf16>, vector<10000x128xf32> -> vector<10000x128xf32>
    %get3A_6 = arith.constant 0 : index
    %get3A_7 = arith.constant 0 : index
    %get3A_8 = vector.load %arg3[%get3A_6, %get3A_7] : memref<1x128xf32, #tpu.memory_space<vmem>>, vector<1x128xf32>
    %add3A = vector.broadcast %get3A_8 : vector<1x128xf32> to vector<10000x128xf32>
    %add3A_9 = arith.addf %dot_general3A_5, %add3A : vector<10000x128xf32>
    %swap3A = arith.constant 0 : index
    %swap3A_10 = arith.constant 0 : index
    %swap3A_11 = vector.load %arg4[%swap3A, %swap3A_10] : memref<10000x128xf32, #tpu.memory_space<vmem>>, vector<10000x128xf32>
    tpu.vector_store %arg4[%swap3A, %swap3A_10], %add3A_9 {strides = array<i32>} : memref<10000x128xf32, #tpu.memory_space<vmem>>, vector<10000x128xf32>,
    return
  }
  func.func @transform_0(%arg0: i32) -> (i32, i32) {
    %c0_i32 = arith.constant 0 : i32
    %c0_i32_0 = arith.constant 0 : i32
    return %arg0, %c0_i32 : i32, i32
  }
  func.func @transform_1(%arg0: i32) -> (i32, i32) {
    %c0_i32 = arith.constant 0 : i32
    %c0_i32_0 = arith.constant 0 : i32
    %c0_i32_1 = arith.constant 0 : i32
    return %c0_i32, %c0_i32_0 : i32, i32
  }
  func.func @transform_2(%arg0: i32) -> (i32, i32) {
    %c0_i32 = arith.constant 0 : i32
    %c0_i32_0 = arith.constant 0 : i32
    %c0_i32_1 = arith.constant 0 : i32
    return %c0_i32, %c0_i32_0 : i32, i32
  }
  func.func @transform_3(%arg0: i32) -> (i32, i32) {
    %c0_i32 = arith.constant 0 : i32
    %c0_i32_0 = arith.constant 0 : i32
    return %arg0, %c0_i32 : i32, i32
  }
}

</mosaic_0001>

<sc_bundles>
// kernel: kernel.4.cloned.1.call-start
scs
__scs_entry_jumppad:
0x0: {  	(pc) =	sbr.rel $0x88, $3  }
0x1: {  	(tag) =	ssettag $0x0;
	lr =	simm.s32 $0x1  }
0x2: {  	[smem:$0x3F9D] =	sst lr;
	_ =	strace $0xD0000000  }
0x3: {  	_ = 	snop  }
0x4: {  	_ = 	snop  }
0x5: {  	_ = 	snop  }
0x6: {  	_ = 	snop  }
0x7: {  	_ = 	snop  }
__scs_overlays_trampoline_lowered:
0x8: {  	[smem:$0x3FAC] =	sst s0  }
0x9: {  	[smem:$0x3FAD] =	sst s1  }
0xa: {  	[smem:$0x3FAE] =	sst s2  }
0xb: {  	[smem:$0x3FAF] =	sst s3  }
0xc: {  	[smem:$0x3FB0] =	sst s4  }
0xd: {  	[smem:$0x3FB1] =	sst s5  }
0xe: {  	[smem:$0x3FB2] =	sst s6  }
0xf: {  	[smem:$0x3FB3] =	sst s7  }
0x10: {  	[smem:$0x3FB4] =	sst s8  }
0x11: {  	[smem:$0x3FB5] =	sst s9;
	s0 =	simm.s32 @!p0 $0x0  }
0x12: {  	s1 =	sld [smem:$0x3F9B];
	s0 =	simm.s32 @p0 $0x1  }
0x13: {  	[smem:$0x3FB6] =	sst s0;
	s0 =	simm.s32 @!p1 $0x0  }
0x14: {  	s2 =	sld [smem:$0x3F9A];
	s0 =	simm.s32 @p1 $0x1  }
0x15: {  	[smem:$0x3FB7] =	sst s0;
	s0 =	simm.s32 @!p2 $0x0  }
0x16: {  	s3 =	sld [smem:$0x3FDB];
	s0 =	simm.s32 @p2 $0x1  }
0x17: {  	s4 =	simm.s32 $0x1BF5;
	[smem:$0x3FB9] =	sst s0  }
0x18: {  	s0 =	sld [smem:$0x3F9C];
	_ =	swait.ge [sflag:s4], $0x0  }
0x19: {  	s7 =	sld [smem:$0x3F9D]  }
0x1a: {  	s8 =	sadd.s32 $0xFFFFE003, lr  }
0x1b: {  	s9 =	sadd.s32 $0xFFFFFEF7, lr;
	s5 =	simm.s32 $0xFFFFFFFF;
	p2 =	slt.u32 s8, $0xFFFFF086  }
0x1c: {  	p1 =	slt.u32 s9, $0xF7A;
	s5 =	simm.s32 @!p2 $0x0  }
0x1d: {  	s5 =	simm.s32 @p1 $0x1;
	p0 =	seq.s32 s7, s2  }
0x1e: {  	s7 =	smul.u32 @!p0 $0xF7A, s2;
	p2 =	seq.s32 @!p0 s5, $0x0  }
0x1f: {  	s9 =	smul.u32 $0xF7A, s1;
	s8 =	simm.s32 @!p0 $0x1BF5;
	p2 =	por !p2, p0  }
0x20: {  	[sflag:s8] =	ssyncset.s32 @!p0 $0xFFFFF086;
	s6 =	sadd.s32 @!p0 s3, s7;
	s7 =	simm.s32 @!p0 $0x108  }
0x21: {  	s3 =	sadd.s32 s3, s9;
	s6 =	sadd.s32 @!p0 $0x88, s6;
	s7 =	simm.s32 @p2 $0x1082  }
0x22: {  	[simem:s7], [sflag:s8] =	dma.local @!p0 [hbm:s6], $0xF7A  }
0x23: {  	s9 =	sor.u32 $0xD0000000, s2;
	s6 =	simm.s32 $0x108;
	_ =	swait.ge @!p0 [sflag:s8], $0x0  }
0x24: {  	s3 =	sadd.s32 $0x88, s3;
	s6 =	simm.s32 @!p1 $0x1082;
	[sflag:s4] =	ssyncset.s32 $0xFFFFF086  }
0x25: {  	[simem:s6], [sflag:s4] =	dma.local [hbm:s3], $0xF7A  }
0x26: {  	[smem:$0x3F9D] =	sst s1;
	(tag) =	ssettag s2;
	_ =	strace s9  }
0x27: {  	s1 =	sld [smem:$0x3FAD]  }
0x28: {  	s2 =	sld [smem:$0x3FAE]  }
0x29: {  	s4 =	sld [smem:$0x3FB0]  }
0x2a: {  	p0 =	seq.s32 s5, $0x0;
	s5 =	sld [smem:$0x3FB1]  }
0x2b: {  	s6 =	sld [smem:$0x3FB2]  }
0x2c: {  	s7 =	sld [smem:$0x3FB3]  }
0x2d: {  	s3 =	simm.s32 $0x108;
	s8 =	sld [smem:$0x3FB4]  }
0x2e: {  	s3 =	simm.s32 @!p0 $0x1082;
	s9 =	sld [smem:$0x3FB5]  }
0x2f: {  	lr =	sadd.s32 s0, s3;
	s0 =	sld [smem:$0x3FAC]  }
0x30: {  	s3 =	sld [smem:$0x3FAF]  }
0x31: {  	[smem:$0x3FB8] =	sst s10  }
0x32: {  	s10 =	sld [smem:$0x3FB6];
	_ =	sdelay $0x3  }
0x33: {  	p0 =	seq.s32 s10, $0x1;
	s10 =	sld [smem:$0x3FB8];
	_ =	sdelay $0x3  }
0x34: {  	[smem:$0x3FB8] =	sst s10  }
0x35: {  	s10 =	sld [smem:$0x3FB7];
	_ =	sdelay $0x3  }
0x36: {  	p1 =	seq.s32 s10, $0x1;
	s10 =	sld [smem:$0x3FB8];
	_ =	sdelay $0x3  }
0x37: {  	[smem:$0x3FB8] =	sst s10  }
0x38: {  	s10 =	sld [smem:$0x3FB9]  }
0x39: {  	_ = 	snop;
	(pc) =	sbr.ind lr, $3  }
0x3a: {  	_ = 	snop  }
0x3b: {  	_ = 	snop  }
0x3c: {  	p2 =	seq.s32 s10, $0x1;
	s10 =	sld [smem:$0x3FB8]  }
0x3d: {  	_ =	shalt  }
0x3e: {  	_ =	shalt  }
0x3f: {  	_ =	shalt  }
0x40: {  	_ =	shalt  }
0x41: {  	_ =	shalt  }
0x42: {  	_ =	shalt  }
0x43: {  	_ =	shalt  }
0x44: {  	_ =	shalt  }
0x45: {  	_ =	shalt  }
0x46: {  	_ =	shalt  }
0x47: {  	_ =	shalt  }
0x48: {  	_ =	shalt  }
0x49: {  	_ =	shalt  }
0x4a: {  	_ =	shalt  }
0x4b: {  	_ =	shalt  }
0x4c: {  	_ =	shalt  }
0x4d: {  	_ =	shalt  }
0x4e: {  	_ =	shalt  }
0x4f: {  	_ =	shalt  }
0x50: {  	_ =	shalt  }
0x51: {  	_ =	shalt  }
0x52: {  	_ =	shalt  }
0x53: {  	_ =	shalt  }
0x54: {  	_ =	shalt  }
0x55: {  	_ =	shalt  }
0x56: {  	_ =	shalt  }
0x57: {  	_ =	shalt  }
0x58: {  	_ =	shalt  }
0x59: {  	_ =	shalt  }
0x5a: {  	_ =	shalt  }
0x5b: {  	_ =	shalt  }
0x5c: {  	_ =	shalt  }
0x5d: {  	_ =	shalt  }
0x5e: {  	_ =	shalt  }
0x5f: {  	_ =	shalt  }
0x60: {  	_ =	shalt  }
0x61: {  	_ =	shalt  }
0x62: {  	_ =	shalt  }
0x63: {  	_ =	shalt  }
0x64: {  	_ =	shalt  }
0x65: {  	_ =	shalt  }
0x66: {  	_ =	shalt  }
0x67: {  	_ =	shalt  }
0x68: {  	_ =	shalt  }
0x69: {  	_ =	shalt  }
0x6a: {  	_ =	shalt  }
0x6b: {  	_ =	shalt  }
0x6c: {  	_ =	shalt  }
0x6d: {  	_ =	shalt  }
0x6e: {  	_ =	shalt  }
0x6f: {  	_ =	shalt  }
0x70: {  	_ =	shalt  }
0x71: {  	_ =	shalt  }
0x72: {  	_ =	shalt  }
0x73: {  	_ =	shalt  }
0x74: {  	_ =	shalt  }
0x75: {  	_ =	shalt  }
0x76: {  	_ =	shalt  }
0x77: {  	_ =	shalt  }
0x78: {  	_ =	shalt  }
0x79: {  	_ =	shalt  }
0x7a: {  	_ =	shalt  }
0x7b: {  	_ =	shalt  }
0x7c: {  	_ =	shalt  }
0x7d: {  	_ =	shalt  }
0x7e: {  	_ =	shalt  }
0x7f: {  	_ =	shalt  }
0x80: {  	_ =	shalt  }
0x81: {  	_ =	shalt  }
0x82: {  	_ =	shalt  }
0x83: {  	_ =	shalt  }
0x84: {  	_ =	shalt  }
0x85: {  	_ =	shalt  }
0x86: {  	_ =	shalt  }
0x87: {  	_ =	shalt  }
.Lfunc_end0:
.L_simem_size_0:
called_computation_lowered:
.L_overlay_start_0:
0x88: {  	s2 =	sld [smem:$0x3FD9]  }
0x89: {  	s3 =	sld [smem:$0x3FFE];
	_ =	sdelay $0x1  }
0x8a: {  	s1 =	srdreg.scid  }
0x8b: {  	s0 =	sand.u32 $0x1, s1  }
0x8c: {  	s17 =	sshll.u32 s0, $0xA;
	s2 =	sadd.s32 s3, s2  }
0x8d: {  	s2 =	sadd.s32 s2, s17  }
0x8e: {  	[smem:$0x3FC4] =	sst s2  }
0x8f: {  	_ = 	snop  }
0x90: {  	s2 =	sld [smem:$0x3FD0];
	(tm) =	ssettm $0x1  }
0x91: {  	s18 =	sld [smem:$0x3FFB];
	_ =	sdelay $0x3  }
0x92: {  	_ =	strace s18  }
0x93: {  	s3 =	sld [smem:$0x3FFC];
	_ =	sdelay $0x3  }
0x94: {  	_ =	strace s3  }
0x95: {  	s3 =	sld [smem:$0x3FFD];
	_ =	sdelay $0x3  }
0x96: {  	_ =	strace s3  }
0x97: {  	_ =	strace $0x8FFFFFFF  }
0x98: {  	s19 =	sld [smem:$0x3FDB];
	_ =	sdelay $0x1  }
0x99: {  	s4 =	simm.s32 $_scs_section_size  }
0x9a: {  	s5 =	simm.s32 $_size__tile_overlayer_lowered;
	s6 =	simm.s32 $_tile_overlayer_lowered  }
0x9b: {  	s22 =	simm.s32 $0x1BFF;
	s21 =	sshll.u32 s6, $0x1;
	s3 =	sadd.s32 s4, s19  }
0x9c: {  	s7 =	simm.s32 $0x0;
	s20 =	sshll.u32 s5, $0x1;
	s5 =	sadd.s32 s21, s3  }
0x9d: {  	[timem:s7], [sflag:s22] =	dma.local [hbm:s5], s20  }
0x9e: {  	_ =	swait.ge [sflag:s22], s20  }
0x9f: {  	s4 =	ssub.s32 $0x0, s20;
	[sflag:s22] =	ssyncset.done $0x0  }
0xa0: {  	[sflag:s22] =	ssyncadd.s32 s4;
	_ =	sdelay $0x1  }
0xa1: {  	s23 =	simm.s32 $0x1B8B  }
0xa2: {  	_ =	swait.ge [sflag:s23], $0x1  }
0xa3: {  	[sflag:s23] =	ssyncset.done $0x0  }
0xa4: {  	s25 =	simm.s32 $0x1B8E;
	s24 =	sld [smem:$0x3FFE];
	[sflag:s23] =	ssyncadd.s32 $0xFFFFFFFF  }
0xa5: {  	s26 =	simm.s32 $execute0_lowered;
	[smem:$0x3FD2] =	sst s25  }
0xa6: {  	s5 =	sshll.u32 s26, $0x1;
	_ =	strace $0x80000046;
	[dreg:$0x1] =	wrdreg $0xFFFFFFFF  }
0xa7: {  	s28 =	simm.s32 $_size_execute0_lowered;
	s3 =	sadd.s32 s3, s5;
	[dreg:$0x0] =	wrdreg $0x0  }
0xa8: {  	s5 =	sshll.u32 s28, $0x1;
	[dreg:$0x2] =	wrdreg s3  }
0xa9: {  	[dreg:$0x3] =	wrdreg s5  }
0xaa: {  	[dreg:$0x4] =	wrdreg $0xC0  }
0xab: {  	_ =	task [dreg:s7], $0x5FFFF  }
0xac: {  	[dreg:$0x1] =	wrdreg $0xFFFFFFFF  }
0xad: {  	[dreg:$0x0] =	wrdreg $0x60  }
0xae: {  	[dreg:$0x2] =	wrdreg s24  }
0xaf: {  	[dreg:$0x3] =	wrdreg s2  }
0xb0: {  	[dreg:$0x4] =	wrdreg $0x9  }
0xb1: {  	_ =	task.clear_ibuf [dreg:s7], $0x5FFFF;
	_ =	strace $0x90000046  }
0xb2: {  	s29 =	simm.s32 $0x9;
	_ =	strace $0x80000048  }
0xb3: {  	_ =	swait.ge [sflag:s29], $0x1  }
0xb4: {  	[sflag:s29] =	ssyncadd.s32 $0xFFFFFFFF  }
0xb5: {  	_ =	strace $0x90000048  }
0xb6: {  	_ =	sfence  }
0xb7: {  	s30 =	sld [smem:$0x0];
	_ =	sdelay $0x2  }
0xb8: {  	s31 =	sshll.u32 s1, $0xD;
	s1 =	sshrl.u32 s1, $0x2  }
0xb9: {  	s3 =	sand.u32 $0x4000, s31;
	s1 =	sadd.s32 s1, s30  }
0xba: {  	s0 =	sor.u32 s3, s0;
	s1 =	sshll.u32 s1, $0x11  }
0xbb: {  	s0 =	sor.u32 s1, s0  }
0xbc: {  	s0 =	sadd.s32 $0x8F2B, s0  }
0xbd: {  	[sflag:s0] =	ssyncadd.remote.s32 $0x1  }
0xbe: {  	_ =	sfence.sel $0xFFFF  }
0xbf: {  	[dreg:$0x0] =	wrdreg $0xFFFFFFFF;
	(pc) =	sbr.abs _section_cstart, $3  }
0xc0: {  	[dreg:$0x1] =	wrdreg $0xFFFFFFFF  }
0xc1: {  	_ =	task.clear_ibuf [dreg:s7], $0x2FFFF;
	_ =	strace $0x9FFFFFFF  }
0xc2: {  	(tm) =	ssettm $0x7FFFFFFF  }
0xc3: {  	_ =	shalt  }
tec
execute0_lowered:
.L_overlay_start_1:
0x0: {  	(tag) =	ssettag $0x1  }
0x1: {  	s0 =	rddreg [dreg:$0x0];
	s1 =	srdreg.scid  }
0x2: {  	s10 =	stileid.u32;
	s4 =	rddreg [dreg:$0x1];
	s2 =	simm.s32 $0x0  }
0x3: {  	s12 =	simm.s32 $0x5;
	s13 =	simm.s32 $0x40;
	s14 =	simm.s32 $0x3400  }
0x4: {  	s16 =	simm.s32 $0x5400;
	s18 =	simm.s32 $0x7400;
	s20 =	simm.s32 $0x9400  }
0x5: {  	s22 =	simm.s32 $0xB400;
	s24 =	simm.s32 $0xD400;
	s9 =	smul.u32 $0x32000, s10  }
0x6: {  	s1 =	sand.u32 $0x1, s1;
	s3 =	sshll.u32 s10, $0x1;
	s10 =	smul.u32 $0x190000, s10  }
0x7: {  	s29 =	simm.s32 $0x11400;
	s31 =	simm.s32 $0x13400;
	s11 =	smul.u32 $0xC8000, s1  }
0x8: {  	s3 =	sor.u32 s1, s3;
	s7 =	ssub.s32 $0x2, s1;
	s1 =	smul.u32 $0x19000, s1  }
0x9: {  	s15 =	simm.s32 $0x1;
	s17 =	simm.s32 $0x3;
	s5 =	smul.u32 $0x680, s3  }
0xa: {  	s30 =	simm.s32 $0x2;
	[smem:$0x7FF] =	sst s2;
	s6 =	smul.u32 $0xC8000, s3  }
0xb: {  	s21 =	simm.s32 $0x0;
	_ =	strace $0x80000047;
	s8 =	smul.u32 $0x19000, s3  }
0xc: {  	s3 =	sadd.s32 $0xD600, s0;
	s25 =	sshrl.u32 s7, $0x1;
	s9 =	sadd.s32 s9, s4  }
0xd: {  	s10 =	sadd.s32 s11, s10;
	s1 =	sadd.s32 s1, s9;
	s5 =	sadd.s32 s5, s0  }
0xe: {  	s0 =	ssub.s32 s7, s25;
	s26 =	sshrl.u32 s6, $0x3;
	s6 =	sadd.s32 s4, s8  }
0xf: {  	s11 =	sadd.s32 $0x1E000, s10;
	s10 =	sadd.s32 $0x2800, s1;
	s5 =	sadd.s32 $0x600, s5  }
0x10: {  	s1 =	simm.s32 $0x4;
	s0 =	smax.u32 s0, $0x1;
	[dreg:$0x3] =	wrdreg s5  }
0x11: {  	s8 =	sadd.s32 $0x16800, s6;
	s28 =	sshrl.u32 s11, $0x3;
	[dreg:$0x4] =	wrdreg s0  }
0x12: {  	s0 =	sadd.s32 s4, s26;
	s19 =	sadd.s32 s28, s4;
	s26 =	simm.s32 $0xF400  }
0x13: {  	s7 =	sadd.s32 $0x1400, s0;
	s9 =	sadd.s32 $0x17C00, s0;
	s0 =	simm.s32 $0x15400  }
.LBB2_1:
0x14: {  	s4 =	rddreg [dreg:$0x3]  }
0x15: {  	[tilespmem:s2], [sflag:$0x5] =	stream.linear.gather [hbm4b:s4+s2], $0x3200, $0x38;
	[tilespmem:$0x17400] =	vst v63  }
0x16: {  	_ =	swait.ge [sflag:s12], $0x3200  }
0x17: {  	[sflag:s12] =	ssyncset.done $0x0  }
0x18: {  	[sflag:s12] =	ssyncadd.s32 $0xFFFFCE00  }
0x19: {  	[tilespmem:s14], [sflag:$0x1] =	stream.indirect.gather [hbm4b:s3+s13], $0x80, s2, s13, $0xb8;
	[tilespmem:$0x17400] =	vst v63  }
0x1a: {  	s5 =	simm.s32 $0x80  }
0x1b: {  	[tilespmem:s16], [sflag:$0x1] =	stream.indirect.gather [hbm4b:s3+s13], $0x80, s5, s13, $0xb8;
	[tilespmem:$0x17400] =	vst v63  }
0x1c: {  	s11 =	simm.s32 $0x100  }
0x1d: {  	[tilespmem:s18], [sflag:$0x1] =	stream.indirect.gather [hbm4b:s3+s13], $0x80, s11, s13, $0xb8;
	[tilespmem:$0x17400] =	vst v63  }
0x1e: {  	s23 =	simm.s32 $0x180  }
0x1f: {  	[tilespmem:s20], [sflag:$0x1] =	stream.indirect.gather [hbm4b:s3+s13], $0x80, s23, s13, $0xb8;
	[tilespmem:$0x17400] =	vst v63  }
0x20: {  	s25 =	simm.s32 $0x200  }
0x21: {  	[tilespmem:s22], [sflag:$0x1] =	stream.indirect.gather [hbm4b:s3+s13], $0x80, s25, s13, $0xb8;
	[tilespmem:$0x17400] =	vst v63  }
0x22: {  	s5 =	simm.s32 $0x280  }
0x23: {  	[tilespmem:s24], [sflag:$0x2] =	stream.indirect.gather [hbm4b:s3+s13], $0x80, s5, s13, $0xb8;
	[tilespmem:$0x17400] =	vst v63  }
0x24: {  	s11 =	simm.s32 $0x300  }
0x25: {  	[tilespmem:s26], [sflag:$0x2] =	stream.indirect.gather [hbm4b:s3+s13], $0x80, s11, s13, $0xb8;
	[tilespmem:$0x17400] =	vst v63  }
0x26: {  	s23 =	simm.s32 $0x380  }
0x27: {  	[tilespmem:s29], [sflag:$0x2] =	stream.indirect.gather [hbm4b:s3+s13], $0x80, s23, s13, $0xb8;
	[tilespmem:$0x17400] =	vst v63  }
0x28: {  	s25 =	simm.s32 $0x400  }
0x29: {  	[tilespmem:s31], [sflag:$0x2] =	stream.indirect.gather [hbm4b:s3+s13], $0x80, s25, s13, $0xb8;
	[tilespmem:$0x17400] =	vst v63  }
0x2a: {  	s5 =	simm.s32 $0x480  }
0x2b: {  	[tilespmem:s0], [sflag:$0x2] =	stream.indirect.gather [hbm4b:s3+s13], $0x80, s5, s13, $0xb8;
	[tilespmem:$0x17400] =	vst v63  }
0x2c: {  	_ =	swait.ge [sflag:s15], $0x2000  }
0x2d: {  	[sflag:s15] =	ssyncset.done $0x0  }
0x2e: {  	[sflag:s15] =	ssyncadd.s32 $0xFFFFE000  }
0x2f: {  	_ =	swait.ge [sflag:s15], $0x2000  }
0x30: {  	[sflag:s15] =	ssyncset.done $0x0  }
0x31: {  	[sflag:s15] =	ssyncadd.s32 $0xFFFFE000  }
0x32: {  	_ =	swait.ge [sflag:s15], $0x2000  }
0x33: {  	[sflag:s15] =	ssyncset.done $0x0  }
0x34: {  	[sflag:s15] =	ssyncadd.s32 $0xFFFFE000  }
0x35: {  	_ =	swait.ge [sflag:s15], $0x2000  }
0x36: {  	[sflag:s15] =	ssyncset.done $0x0  }
0x37: {  	[sflag:s15] =	ssyncadd.s32 $0xFFFFE000  }
0x38: {  	_ =	swait.ge [sflag:s15], $0x2000  }
0x39: {  	[sflag:s15] =	ssyncset.done $0x0  }
0x3a: {  	[sflag:s15] =	ssyncadd.s32 $0xFFFFE000  }
0x3b: {  	[hbm4b:s6+s2] =	stream.linear.scatter [tilespmem:s14], [sflag:$0x3], $0xA000, $0x38;
	[tilespmem:$0x17400] =	vst v63  }
0x3c: {  	_ =	swait.ge [sflag:s17], $0xA000  }
0x3d: {  	[sflag:s17] =	ssyncset.done $0x0  }
0x3e: {  	s11 =	simm.s32 $0x500;
	[sflag:s17] =	ssyncadd.s32 $0xFFFF6000  }
0x3f: {  	[tilespmem:s14], [sflag:$0x1] =	stream.indirect.gather [hbm4b:s3+s13], $0x80, s11, s13, $0xb8;
	[tilespmem:$0x17400] =	vst v63  }
0x40: {  	s23 =	simm.s32 $0x580  }
0x41: {  	[tilespmem:s16], [sflag:$0x1] =	stream.indirect.gather [hbm4b:s3+s13], $0x80, s23, s13, $0xb8;
	[tilespmem:$0x17400] =	vst v63  }
0x42: {  	s25 =	simm.s32 $0x600  }
0x43: {  	[tilespmem:s18], [sflag:$0x1] =	stream.indirect.gather [hbm4b:s3+s13], $0x80, s25, s13, $0xb8;
	[tilespmem:$0x17400] =	vst v63  }
0x44: {  	s5 =	simm.s32 $0x680  }
0x45: {  	[tilespmem:s20], [sflag:$0x1] =	stream.indirect.gather [hbm4b:s3+s13], $0x80, s5, s13, $0xb8;
	[tilespmem:$0x17400] =	vst v63  }
0x46: {  	s11 =	simm.s32 $0x700  }
0x47: {  	[tilespmem:s22], [sflag:$0x1] =	stream.indirect.gather [hbm4b:s3+s13], $0x80, s11, s13, $0xb8;
	[tilespmem:$0x17400] =	vst v63  }
0x48: {  	_ =	swait.ge [sflag:s30], $0x2000  }
0x49: {  	[sflag:s30] =	ssyncset.done $0x0  }
0x4a: {  	[sflag:s30] =	ssyncadd.s32 $0xFFFFE000  }
0x4b: {  	_ =	swait.ge [sflag:s30], $0x2000  }
0x4c: {  	[sflag:s30] =	ssyncset.done $0x0  }
0x4d: {  	[sflag:s30] =	ssyncadd.s32 $0xFFFFE000  }
0x4e: {  	_ =	swait.ge [sflag:s30], $0x2000  }
0x4f: {  	[sflag:s30] =	ssyncset.done $0x0  }
0x50: {  	[sflag:s30] =	ssyncadd.s32 $0xFFFFE000  }
0x51: {  	_ =	swait.ge [sflag:s30], $0x2000  }
0x52: {  	[sflag:s30] =	ssyncset.done $0x0  }
0x53: {  	[sflag:s30] =	ssyncadd.s32 $0xFFFFE000  }
0x54: {  	_ =	swait.ge [sflag:s30], $0x2000  }
0x55: {  	[sflag:s30] =	ssyncset.done $0x0  }
0x56: {  	[sflag:s30] =	ssyncadd.s32 $0xFFFFE000  }
0x57: {  	[hbm4b:s7+s2] =	stream.linear.scatter [tilespmem:s24], [sflag:$0x4], $0xA000, $0x38;
	[tilespmem:$0x17400] =	vst v63  }
0x58: {  	_ =	swait.ge [sflag:s1], $0xA000  }
0x59: {  	[sflag:s1] =	ssyncset.done $0x0  }
0x5a: {  	s23 =	simm.s32 $0x780;
	[sflag:s1] =	ssyncadd.s32 $0xFFFF6000  }
0x5b: {  	[tilespmem:s24], [sflag:$0x2] =	stream.indirect.gather [hbm4b:s3+s13], $0x80, s23, s13, $0xb8;
	[tilespmem:$0x17400] =	vst v63  }
0x5c: {  	s25 =	simm.s32 $0x800  }
0x5d: {  	[tilespmem:s26], [sflag:$0x2] =	stream.indirect.gather [hbm4b:s3+s13], $0x80, s25, s13, $0xb8;
	[tilespmem:$0x17400] =	vst v63  }
0x5e: {  	s5 =	simm.s32 $0x880  }
0x5f: {  	[tilespmem:s29], [sflag:$0x2] =	stream.indirect.gather [hbm4b:s3+s13], $0x80, s5, s13, $0xb8;
	[tilespmem:$0x17400] =	vst v63  }
0x60: {  	s11 =	simm.s32 $0x900  }
0x61: {  	[tilespmem:s31], [sflag:$0x2] =	stream.indirect.gather [hbm4b:s3+s13], $0x80, s11, s13, $0xb8;
	[tilespmem:$0x17400] =	vst v63  }
0x62: {  	s23 =	simm.s32 $0x980  }
0x63: {  	[tilespmem:s0], [sflag:$0x2] =	stream.indirect.gather [hbm4b:s3+s13], $0x80, s23, s13, $0xb8;
	[tilespmem:$0x17400] =	vst v63  }
0x64: {  	_ =	swait.ge [sflag:s15], $0x2000  }
0x65: {  	[sflag:s15] =	ssyncset.done $0x0  }
0x66: {  	[sflag:s15] =	ssyncadd.s32 $0xFFFFE000  }
0x67: {  	_ =	swait.ge [sflag:s15], $0x2000  }
0x68: {  	[sflag:s15] =	ssyncset.done $0x0  }
0x69: {  	[sflag:s15] =	ssyncadd.s32 $0xFFFFE000  }
0x6a: {  	_ =	swait.ge [sflag:s15], $0x2000  }
0x6b: {  	[sflag:s15] =	ssyncset.done $0x0  }
0x6c: {  	[sflag:s15] =	ssyncadd.s32 $0xFFFFE000  }
0x6d: {  	_ =	swait.ge [sflag:s15], $0x2000  }
0x6e: {  	[sflag:s15] =	ssyncset.done $0x0  }
0x6f: {  	[sflag:s15] =	ssyncadd.s32 $0xFFFFE000  }
0x70: {  	_ =	swait.ge [sflag:s15], $0x2000  }
0x71: {  	[sflag:s15] =	ssyncset.done $0x0  }
0x72: {  	[sflag:s15] =	ssyncadd.s32 $0xFFFFE000  }
0x73: {  	[hbm4b:s10+s2] =	stream.linear.scatter [tilespmem:s14], [sflag:$0x3], $0xA000, $0x38;
	[tilespmem:$0x17400] =	vst v63  }
0x74: {  	_ =	swait.ge [sflag:s17], $0xA000  }
0x75: {  	[sflag:s17] =	ssyncset.done $0x0  }
0x76: {  	s25 =	simm.s32 $0xA00;
	[sflag:s17] =	ssyncadd.s32 $0xFFFF6000  }
0x77: {  	[tilespmem:s14], [sflag:$0x1] =	stream.indirect.gather [hbm4b:s3+s13], $0x80, s25, s13, $0xb8;
	[tilespmem:$0x17400] =	vst v63  }
0x78: {  	s5 =	simm.s32 $0xA80  }
0x79: {  	[tilespmem:s16], [sflag:$0x1] =	stream.indirect.gather [hbm4b:s3+s13], $0x80, s5, s13, $0xb8;
	[tilespmem:$0x17400] =	vst v63  }
0x7a: {  	s11 =	simm.s32 $0xB00  }
0x7b: {  	[tilespmem:s18], [sflag:$0x1] =	stream.indirect.gather [hbm4b:s3+s13], $0x80, s11, s13, $0xb8;
	[tilespmem:$0x17400] =	vst v63  }
0x7c: {  	s23 =	simm.s32 $0xB80  }
0x7d: {  	[tilespmem:s20], [sflag:$0x1] =	stream.indirect.gather [hbm4b:s3+s13], $0x80, s23, s13, $0xb8;
	[tilespmem:$0x17400] =	vst v63  }
0x7e: {  	s25 =	simm.s32 $0xC00  }
0x7f: {  	[tilespmem:s22], [sflag:$0x1] =	stream.indirect.gather [hbm4b:s3+s13], $0x80, s25, s13, $0xb8;
	[tilespmem:$0x17400] =	vst v63  }
0x80: {  	_ =	swait.ge [sflag:s30], $0x2000  }
0x81: {  	[sflag:s30] =	ssyncset.done $0x0  }
0x82: {  	[sflag:s30] =	ssyncadd.s32 $0xFFFFE000  }
0x83: {  	_ =	swait.ge [sflag:s30], $0x2000  }
0x84: {  	[sflag:s30] =	ssyncset.done $0x0  }
0x85: {  	[sflag:s30] =	ssyncadd.s32 $0xFFFFE000  }
0x86: {  	_ =	swait.ge [sflag:s30], $0x2000  }
0x87: {  	[sflag:s30] =	ssyncset.done $0x0  }
0x88: {  	[sflag:s30] =	ssyncadd.s32 $0xFFFFE000  }
0x89: {  	_ =	swait.ge [sflag:s30], $0x2000  }
0x8a: {  	[sflag:s30] =	ssyncset.done $0x0  }
0x8b: {  	[sflag:s30] =	ssyncadd.s32 $0xFFFFE000  }
0x8c: {  	_ =	swait.ge [sflag:s30], $0x2000  }
0x8d: {  	s28 =	sadd.s32 $0x2800, s19;
	s11 =	smov.u32 s19;
	[sflag:s30] =	ssyncset.done $0x0  }
0x8e: {  	s23 =	simm.s32 $0x1400;
	s25 =	sadd.s32 $0x2800, s10;
	[sflag:s30] =	ssyncadd.s32 $0xFFFFE000  }
.LBB2_2:
0x8f: {  	[hbm4b:s11+s2] =	stream.linear.scatter [tilespmem:s24], [sflag:$0x4], $0xA000, $0x38;
	[tilespmem:$0x17400] =	vst v63  }
0x90: {  	s4 =	smov.u32 s23;
	s23 =	sadd.s32 $0x1400, s23;
	_ =	swait.ge [sflag:s1], $0xA000  }
0x91: {  	s4 =	sshra.s32 s4, $0x2;
	p0 =	sne.s32 s23, $0xA000;
	[sflag:s1] =	ssyncset.done $0x0  }
0x92: {  	s11 =	smov.u32 s28;
	s5 =	sadd.s32 $0x780, s4;
	[sflag:s1] =	ssyncadd.s32 $0xFFFF6000  }
0x93: {  	[tilespmem:s24], [sflag:$0x2] =	stream.indirect.gather [hbm4b:s3+s13], $0x80, s5, s13, $0xb8;
	[tilespmem:$0x17400] =	vst v63  }
0x94: {  	s5 =	sadd.s32 $0x800, s4  }
0x95: {  	[tilespmem:s26], [sflag:$0x2] =	stream.indirect.gather [hbm4b:s3+s13], $0x80, s5, s13, $0xb8;
	[tilespmem:$0x17400] =	vst v63  }
0x96: {  	s5 =	sadd.s32 $0x880, s4  }
0x97: {  	[tilespmem:s29], [sflag:$0x2] =	stream.indirect.gather [hbm4b:s3+s13], $0x80, s5, s13, $0xb8;
	[tilespmem:$0x17400] =	vst v63  }
0x98: {  	s5 =	sadd.s32 $0x900, s4  }
0x99: {  	[tilespmem:s31], [sflag:$0x2] =	stream.indirect.gather [hbm4b:s3+s13], $0x80, s5, s13, $0xb8;
	[tilespmem:$0x17400] =	vst v63  }
0x9a: {  	s5 =	sadd.s32 $0x980, s4  }
0x9b: {  	[tilespmem:s0], [sflag:$0x2] =	stream.indirect.gather [hbm4b:s3+s13], $0x80, s5, s13, $0xb8;
	[tilespmem:$0x17400] =	vst v63  }
0x9c: {  	_ =	swait.ge [sflag:s15], $0x2000  }
0x9d: {  	[sflag:s15] =	ssyncset.done $0x0  }
0x9e: {  	[sflag:s15] =	ssyncadd.s32 $0xFFFFE000  }
0x9f: {  	_ =	swait.ge [sflag:s15], $0x2000  }
0xa0: {  	[sflag:s15] =	ssyncset.done $0x0  }
0xa1: {  	[sflag:s15] =	ssyncadd.s32 $0xFFFFE000  }
0xa2: {  	_ =	swait.ge [sflag:s15], $0x2000  }
0xa3: {  	[sflag:s15] =	ssyncset.done $0x0  }
0xa4: {  	[sflag:s15] =	ssyncadd.s32 $0xFFFFE000  }
0xa5: {  	_ =	swait.ge [sflag:s15], $0x2000  }
0xa6: {  	[sflag:s15] =	ssyncset.done $0x0  }
0xa7: {  	[sflag:s15] =	ssyncadd.s32 $0xFFFFE000  }
0xa8: {  	_ =	swait.ge [sflag:s15], $0x2000  }
0xa9: {  	[sflag:s15] =	ssyncset.done $0x0  }
0xaa: {  	[sflag:s15] =	ssyncadd.s32 $0xFFFFE000  }
0xab: {  	[hbm4b:s25+s2] =	stream.linear.scatter [tilespmem:s14], [sflag:$0x3], $0xA000, $0x38;
	[tilespmem:$0x17400] =	vst v63  }
0xac: {  	_ =	swait.ge [sflag:s17], $0xA000  }
0xad: {  	[sflag:s17] =	ssyncset.done $0x0  }
0xae: {  	s5 =	sadd.s32 $0xA00, s4;
	[sflag:s17] =	ssyncadd.s32 $0xFFFF6000  }
0xaf: {  	[tilespmem:s14], [sflag:$0x1] =	stream.indirect.gather [hbm4b:s3+s13], $0x80, s5, s13, $0xb8;
	[tilespmem:$0x17400] =	vst v63  }
0xb0: {  	s5 =	sadd.s32 $0xA80, s4  }
0xb1: {  	[tilespmem:s16], [sflag:$0x1] =	stream.indirect.gather [hbm4b:s3+s13], $0x80, s5, s13, $0xb8;
	[tilespmem:$0x17400] =	vst v63  }
0xb2: {  	s5 =	sadd.s32 $0xB00, s4  }
0xb3: {  	[tilespmem:s18], [sflag:$0x1] =	stream.indirect.gather [hbm4b:s3+s13], $0x80, s5, s13, $0xb8;
	[tilespmem:$0x17400] =	vst v63  }
0xb4: {  	s5 =	sadd.s32 $0xB80, s4  }
0xb5: {  	[tilespmem:s20], [sflag:$0x1] =	stream.indirect.gather [hbm4b:s3+s13], $0x80, s5, s13, $0xb8;
	[tilespmem:$0x17400] =	vst v63  }
0xb6: {  	s4 =	sadd.s32 $0xC00, s4  }
0xb7: {  	[tilespmem:s22], [sflag:$0x1] =	stream.indirect.gather [hbm4b:s3+s13], $0x80, s4, s13, $0xb8;
	[tilespmem:$0x17400] =	vst v63  }
0xb8: {  	_ =	swait.ge [sflag:s30], $0x2000  }
0xb9: {  	[sflag:s30] =	ssyncset.done $0x0  }
0xba: {  	[sflag:s30] =	ssyncadd.s32 $0xFFFFE000  }
0xbb: {  	_ =	swait.ge [sflag:s30], $0x2000  }
0xbc: {  	[sflag:s30] =	ssyncset.done $0x0  }
0xbd: {  	[sflag:s30] =	ssyncadd.s32 $0xFFFFE000  }
0xbe: {  	_ =	swait.ge [sflag:s30], $0x2000  }
0xbf: {  	[sflag:s30] =	ssyncset.done $0x0  }
0xc0: {  	[sflag:s30] =	ssyncadd.s32 $0xFFFFE000  }
0xc1: {  	_ =	swait.ge [sflag:s30], $0x2000  }
.Ltmp0:
0xc2: {  	[sflag:s30] =	ssyncset.done $0x0;
	(pc) =	sbr.rel @p0 .LBB2_2-.Ltmp0, $4  }
0xc3: {  	[sflag:s30] =	ssyncadd.s32 $0xFFFFE000  }
0xc4: {  	_ =	swait.ge [sflag:s30], $0x2000  }
0xc5: {  	[sflag:s30] =	ssyncset.done $0x0  }
0xc6: {  	s28 =	sadd.s32 $0x2800, s28;
	s25 =	sadd.s32 $0x2800, s25;
	[sflag:s30] =	ssyncadd.s32 $0xFFFFE000  }
0xc7: {  	[hbm4b:s11+s2] =	stream.linear.scatter [tilespmem:s24], [sflag:$0x4], $0xA000, $0x38;
	[tilespmem:$0x17400] =	vst v63  }
0xc8: {  	_ =	swait.ge [sflag:s1], $0xA000  }
0xc9: {  	[sflag:s1] =	ssyncset.done $0x0  }
0xca: {  	s4 =	simm.s32 $0x2F80;
	s11 =	sshra.s32 s23, $0x2;
	[sflag:s1] =	ssyncadd.s32 $0xFFFF6000  }
0xcb: {  	[tilespmem:s24], [sflag:$0x2] =	stream.indirect.gather [hbm4b:s3+s13], $0x80, s4, s13, $0xb8;
	[tilespmem:$0x17400] =	vst v63  }
0xcc: {  	s5 =	sadd.s32 $0x800, s11  }
0xcd: {  	[tilespmem:s26], [sflag:$0x2] =	stream.indirect.gather [hbm4b:s3+s13], $0x80, s5, s13, $0xb8;
	[tilespmem:$0x17400] =	vst v63  }
0xce: {  	s23 =	sadd.s32 $0x880, s11  }
0xcf: {  	[tilespmem:s29], [sflag:$0x2] =	stream.indirect.gather [hbm4b:s3+s13], $0x80, s23, s13, $0xb8;
	[tilespmem:$0x17400] =	vst v63  }
0xd0: {  	s25 =	sadd.s32 $0x900, s11  }
0xd1: {  	[tilespmem:s31], [sflag:$0x2] =	stream.indirect.gather [hbm4b:s3+s13], $0x80, s25, s13, $0xb8;
	[tilespmem:$0x17400] =	vst v63  }
0xd2: {  	s4 =	sadd.s32 $0x980, s11  }
0xd3: {  	[tilespmem:s0], [sflag:$0x2] =	stream.indirect.gather [hbm4b:s3+s13], $0x80, s4, s13, $0xb8;
	[tilespmem:$0x17400] =	vst v63  }
0xd4: {  	_ =	swait.ge [sflag:s15], $0x2000  }
0xd5: {  	[sflag:s15] =	ssyncset.done $0x0  }
0xd6: {  	[sflag:s15] =	ssyncadd.s32 $0xFFFFE000  }
0xd7: {  	_ =	swait.ge [sflag:s15], $0x2000  }
0xd8: {  	[sflag:s15] =	ssyncset.done $0x0  }
0xd9: {  	[sflag:s15] =	ssyncadd.s32 $0xFFFFE000  }
0xda: {  	_ =	swait.ge [sflag:s15], $0x2000  }
0xdb: {  	[sflag:s15] =	ssyncset.done $0x0  }
0xdc: {  	[sflag:s15] =	ssyncadd.s32 $0xFFFFE000  }
0xdd: {  	_ =	swait.ge [sflag:s15], $0x2000  }
0xde: {  	[sflag:s15] =	ssyncset.done $0x0  }
0xdf: {  	[sflag:s15] =	ssyncadd.s32 $0xFFFFE000  }
0xe0: {  	_ =	swait.ge [sflag:s15], $0x2000  }
0xe1: {  	[sflag:s15] =	ssyncset.done $0x0  }
0xe2: {  	[sflag:s15] =	ssyncadd.s32 $0xFFFFE000  }
0xe3: {  	[hbm4b:s8+s2] =	stream.linear.scatter [tilespmem:s14], [sflag:$0x3], $0xA000, $0x38;
	[tilespmem:$0x17400] =	vst v63  }
0xe4: {  	_ =	swait.ge [sflag:s30], $0x2000  }
0xe5: {  	[sflag:s30] =	ssyncset.done $0x0  }
0xe6: {  	[sflag:s30] =	ssyncadd.s32 $0xFFFFE000  }
0xe7: {  	_ =	swait.ge [sflag:s30], $0x2000  }
0xe8: {  	[sflag:s30] =	ssyncset.done $0x0  }
0xe9: {  	[sflag:s30] =	ssyncadd.s32 $0xFFFFE000  }
0xea: {  	_ =	swait.ge [sflag:s30], $0x2000  }
0xeb: {  	[sflag:s30] =	ssyncset.done $0x0  }
0xec: {  	[sflag:s30] =	ssyncadd.s32 $0xFFFFE000  }
0xed: {  	_ =	swait.ge [sflag:s30], $0x2000  }
0xee: {  	[sflag:s30] =	ssyncset.done $0x0  }
0xef: {  	[sflag:s30] =	ssyncadd.s32 $0xFFFFE000  }
0xf0: {  	_ =	swait.ge [sflag:s30], $0x2000  }
0xf1: {  	[sflag:s30] =	ssyncset.done $0x0  }
0xf2: {  	[sflag:s30] =	ssyncadd.s32 $0xFFFFE000  }
0xf3: {  	[hbm4b:s9+s2] =	stream.linear.scatter [tilespmem:s24], [sflag:$0x4], $0xA000, $0x38;
	[tilespmem:$0x17400] =	vst v63  }
0xf4: {  	_ =	swait.ge [sflag:s17], $0xA000  }
0xf5: {  	[sflag:s17] =	ssyncset.done $0x0  }
0xf6: {  	[sflag:s17] =	ssyncadd.s32 $0xFFFF6000  }
0xf7: {  	_ =	swait.ge [sflag:s1], $0xA000  }
0xf8: {  	s21 =	sadd.s32 $0x1, s21;
	s28 =	rddreg [dreg:$0x4]  }
0xf9: {  	p0 =	sne.s32 s21, s28  }
.Ltmp1:
0xfa: {  	_ = 	snop;
	(pc) =	sbr.rel @p0 .LBB2_1-.Ltmp1, $3  }
0xfb: {  	_ =	sdelay $0x1  }
0xfc: {  	[sflag:s1] =	ssyncset.done $0x0  }
0xfd: {  	[sflag:s1] =	ssyncadd.s32 $0xFFFF6000  }
0xfe: {  	_ =	sfence.sel $0x180000  }
0xff: {  	[bflag:$0x0] =	sbarrier.arrive $0xFFFF  }
0x100: {  	_ =	strace $0x90000047  }
0x101: {  	s0 =	stileid.u32;
	[bflag:$0x2] =	sbarrier.arrive $0xFFFF  }
0x102: {  	p0 =	sne.s32 s0, $0x0;
	s0 =	rddreg [dreg:$0x2]  }
0x103: {  	s0 =	sadd.s32 @!p0 $0x100000, s0  }
0x104: {  	[sflag:s0] =	ssyncadd.tile.s32 @!p0 $0x1;
	_ =	shalt  }
.Lfunc_end2:
_tile_overlayer_lowered:
.L_overlay_start_2:
0x105: {  	(tag) =	ssettag $0x2  }
0x106: {  	s0 =	rddreg [dreg:$0x0];
	s2 =	stileid.u32  }
0x107: {  	s1 =	rddreg [dreg:$0x1];
	p0 =	sne.s32 s2, $0x0  }
0x108: {  	s3 =	rddreg [dreg:$0x2];
	[bflag:$0x3] =	sbarrier.arrive $0xFFFF;
	s2 =	simm.s32 @!p0 $0x1C05  }
0x109: {  	[timem:s3], [sflag:s2] =	dma.local @!p0 [hbm:s0], s1  }
0x10a: {  	s0 =	simm.s32 @!p0 $0x5  }
0x10b: {  	_ =	swait.ge @!p0 [sflag:s0], s1  }
0x10c: {  	s1 =	ssub.s32 @!p0 $0x0, s1;
	[sflag:s0] =	ssyncset.done @!p0 $0x0  }
0x10d: {  	[sflag:s0] =	ssyncadd.s32 @!p0 s1  }
0x10e: {  	[bflag:$0x3] =	sbarrier.arrive $0xFFFF  }
0x10f: {  	_ =	shalt  }

</sc_bundles>
